<compile_context>
chip_gen: v7x
topology: tpu7x:2x2x1
jax: 0.10.2.dev20260603
libtpu: 0.0.44.dev20260713+nightly
codegen_flags: <defaults>
</compile_context>

<pallas_src>
import numpy as np
import jax
import jax.numpy as jnp
from jax.experimental import pallas as pl
from jax.experimental.pallas import tpu as pltpu

N = 16384
IN = 4
NF = 6
FEAT = 256
PH = 128
E = 8
EH = 256
OUT = 1
FUSED = FEAT + PH

TILE = 512
TE = 256
M_PAD = 2 * N + E * TE
NT = M_PAD // TE

OMEGA = 30.0

_PIO2 = np.pi / 2
_C1 = np.float32(np.floor(_PIO2 * 2 ** 11) / 2 ** 11)
_C2 = np.float32(np.floor((_PIO2 - float(_C1)) * 2 ** 28) / 2 ** 28)
_C3 = np.float32(_PIO2 - float(_C1) - float(_C2))
_TWO_OVER_PI = np.float32(2.0 / np.pi)
_MAGIC = np.float32(1.5 * 2 ** 23)
_MAGIC_I = np.int32(0x4B400000)
_S1 = np.float32(-1.66666546e-1)
_S2 = np.float32(8.33216087e-3)
_S3 = np.float32(-1.95152959e-4)
_K1 = np.float32(-0.5)
_K2 = np.float32(4.16666418e-2)
_K3 = np.float32(-1.38873162e-3)
_K4 = np.float32(2.44331571e-5)


def _fast_sin(x):
    qf = x * _TWO_OVER_PI + _MAGIC
    qi = jax.lax.bitcast_convert_type(qf, jnp.int32) - _MAGIC_I
    q = qi.astype(jnp.float32)
    r = x - q * _C1
    r = r - q * _C2
    r = r - q * _C3
    r2 = r * r
    sp = r + r * (r2 * (_S1 + r2 * (_S2 + r2 * _S3)))
    cp = 1.0 + r2 * (_K1 + r2 * (_K2 + r2 * (_K3 + r2 * _K4)))
    res = jnp.where((qi & 1) == 1, cp, sp)
    return jnp.where((qi & 2) == 2, -res, res)


def _front_kernel(x_ref, fr_ref, tri_ref, w1_ref, eb1_ref, ew2_ref, eb2_ref,
                  pw1_ref, pb1_ref, pw2_ref, pb2_ref, pw3_ref, pb3_ref,
                  pwh_ref, pbh_ref,
                  fused_ref, eidx_ref, g_ref, dloc_ref, counts_ref,
                  carry_ref):
    x = x_ref[...]
    f32 = jnp.float32

    xr = jnp.repeat(x, NF, axis=1) * fr_ref[...]
    enc = jnp.concatenate([x, jnp.sin(xr), jnp.cos(xr)], axis=1)

    h = jnp.sin(OMEGA * (jnp.dot(enc, w1_ref[...],
                                 preferred_element_type=f32) + eb1_ref[...]))
    feat = jnp.sin(OMEGA * (jnp.dot(h, ew2_ref[...],
                                    preferred_element_type=f32) + eb2_ref[...]))

    p = jnp.sin(OMEGA * (jnp.dot(x, pw1_ref[...],
                                 preferred_element_type=f32) + pb1_ref[...]))
    p = jnp.sin(OMEGA * (jnp.dot(p, pw2_ref[...],
                                 preferred_element_type=f32) + pb2_ref[...]))
    p = jnp.sin(OMEGA * (jnp.dot(p, pw3_ref[...],
                                 preferred_element_type=f32) + pb3_ref[...]))
    logits = jnp.dot(p, pwh_ref[...], preferred_element_type=f32) + pbh_ref[...]

    iota = jax.lax.broadcasted_iota(jnp.int32, logits.shape, 1)
    m1 = jnp.max(logits, axis=-1, keepdims=True)
    idx1 = jnp.min(jnp.where(logits >= m1, iota, E), axis=-1, keepdims=True)
    mask1 = iota == idx1
    rest = jnp.where(mask1, -jnp.inf, logits)
    m2 = jnp.max(rest, axis=-1, keepdims=True)
    idx2 = jnp.min(jnp.where(rest >= m2, iota, E), axis=-1, keepdims=True)
    e2 = jnp.exp(m2 - m1)
    g1 = 1.0 / (1.0 + e2)
    g2 = e2 / (1.0 + e2)

    fused_ref[...] = jnp.concatenate([feat, p], axis=1)
    eidx_ref[...] = jnp.concatenate([idx1, idx2], axis=1)
    g_ref[...] = jnp.concatenate([g1, g2], axis=1)

    @pl.when(pl.program_id(0) == 0)
    def _init():
        carry_ref[...] = jnp.zeros_like(carry_ref)

    carry = carry_ref[...]
    oh1 = mask1.astype(f32)
    oh2 = (iota == idx2).astype(f32)
    tri = tri_ref[...]
    excl1 = jnp.dot(tri, oh1, preferred_element_type=f32)
    excl2 = jnp.dot(tri, oh2, preferred_element_type=f32)
    cs1 = jnp.sum(oh1, axis=0, keepdims=True)
    cs2 = jnp.sum(oh2, axis=0, keepdims=True)
    rank1 = jnp.sum(oh1 * (carry + excl1), axis=1, keepdims=True)
    rank2 = jnp.sum(oh2 * (carry + cs1 + excl2), axis=1, keepdims=True)
    dloc_ref[...] = jnp.concatenate([rank1, rank2], axis=1).astype(jnp.int32)
    new_carry = carry + cs1 + cs2
    carry_ref[...] = new_carry
    counts_ref[...] = new_carry


def _expert_kernel(te_ref, rows_ref, w0_ref, b0_ref, w1_ref, b1_ref,
                   w2_ref, b2_ref, wo_ref, bo_ref, y_ref):
    f32 = jnp.float32
    r = rows_ref[...]
    h0 = _fast_sin(OMEGA * (jnp.dot(r, w0_ref[0],
                                    preferred_element_type=f32) + b0_ref[0]))
    h1 = _fast_sin(OMEGA * (jnp.dot(h0, w1_ref[0],
                                    preferred_element_type=f32) + b1_ref[0]))
    h2 = _fast_sin(OMEGA * (jnp.dot(h1, w2_ref[0],
                                    preferred_element_type=f32) + b2_ref[0]))
    y = jnp.dot(h2, wo_ref[0], preferred_element_type=f32)
    y_ref[...] = y + bo_ref[0][:, :1]


def _combine_kernel(g_ref, y1_ref, y2_ref, o_ref):
    g = g_ref[...]
    o_ref[...] = g[:, :1] * y1_ref[...] + g[:, 1:2] * y2_ref[...]


def kernel(x, enc_W1, enc_b1, enc_W2, enc_b2,
           pol_W1, pol_b1, pol_W2, pol_b2, pol_W3, pol_b3, pol_Wh, pol_bh,
           exp_W0, exp_b0, exp_W1, exp_b1, exp_W2, exp_b2, exp_Wo, exp_bo):
    f32 = jnp.float32
    freqs = (2.0 ** np.arange(NF, dtype=np.float32)) * np.pi
    fr = jnp.asarray(np.tile(freqs, IN).reshape(1, IN * NF))

    def row2(a):
        return a.reshape(1, -1).astype(f32)

    bf = lambda a: a.astype(jnp.bfloat16)

    full = lambda shape: pl.BlockSpec(shape, lambda i: (0,) * len(shape))

    tri = jnp.asarray(np.tril(np.ones((TILE, TILE), np.float32), -1))

    fused, eidx, g, dloc, counts_out = pl.pallas_call(
        _front_kernel,
        grid=(N // TILE,),
        in_specs=[
            pl.BlockSpec((TILE, IN), lambda i: (i, 0)),
            full(fr.shape), full(tri.shape), full(enc_W1.shape),
            full((1, FEAT)), full(enc_W2.shape), full((1, FEAT)),
            full(pol_W1.shape), full((1, PH)), full(pol_W2.shape),
            full((1, PH)), full(pol_W3.shape), full((1, PH)),
            full(pol_Wh.shape), full((1, E)),
        ],
        out_specs=[pl.BlockSpec((TILE, FUSED), lambda i: (i, 0)),
                   pl.BlockSpec((TILE, 2), lambda i: (i, 0)),
                   pl.BlockSpec((TILE, 2), lambda i: (i, 0)),
                   pl.BlockSpec((TILE, 2), lambda i: (i, 0)),
                   pl.BlockSpec((1, E), lambda i: (0, 0))],
        out_shape=[jax.ShapeDtypeStruct((N, FUSED), f32),
                   jax.ShapeDtypeStruct((N, 2), jnp.int32),
                   jax.ShapeDtypeStruct((N, 2), f32),
                   jax.ShapeDtypeStruct((N, 2), jnp.int32),
                   jax.ShapeDtypeStruct((1, E), f32)],
        scratch_shapes=[pltpu.VMEM((1, E), f32)],
        compiler_params=pltpu.CompilerParams(
            dimension_semantics=("arbitrary",)),
    )(x, fr, bf(tri), bf(enc_W1), row2(enc_b1), bf(enc_W2), row2(enc_b2),
      bf(pol_W1), row2(pol_b1), bf(pol_W2), row2(pol_b2),
      bf(pol_W3), row2(pol_b3), bf(pol_Wh), row2(pol_bh))

    counts = counts_out[0].astype(jnp.int32)
    pc = ((counts + TE - 1) // TE) * TE
    ends_pad = jnp.cumsum(pc)
    starts_pad = ends_pad - pc
    dest = starts_pad[eidx] + dloc
    tok = jnp.arange(N, dtype=jnp.int32)
    tok_pad = (jnp.zeros((M_PAD,), jnp.int32)
               .at[dest[:, 0]].set(tok).at[dest[:, 1]].set(tok))
    rows = fused[tok_pad]
    tile_expert = jnp.clip(
        jnp.searchsorted(ends_pad, jnp.arange(NT) * TE, side="right"),
        0, E - 1).astype(jnp.int32)
    pos1, pos2 = dest[:, 0], dest[:, 1]

    bo128 = jnp.broadcast_to(exp_bo, (E, 128))
    grid_spec = pltpu.PrefetchScalarGridSpec(
        num_scalar_prefetch=1,
        grid=(NT,),
        in_specs=[
            pl.BlockSpec((TE, FUSED), lambda t, te: (t, 0)),
            pl.BlockSpec((1, FUSED, EH), lambda t, te: (te[t], 0, 0)),
            pl.BlockSpec((1, 1, EH), lambda t, te: (te[t], 0, 0)),
            pl.BlockSpec((1, EH, EH), lambda t, te: (te[t], 0, 0)),
            pl.BlockSpec((1, 1, EH), lambda t, te: (te[t], 0, 0)),
            pl.BlockSpec((1, EH, EH), lambda t, te: (te[t], 0, 0)),
            pl.BlockSpec((1, 1, EH), lambda t, te: (te[t], 0, 0)),
            pl.BlockSpec((1, EH, OUT), lambda t, te: (te[t], 0, 0)),
            pl.BlockSpec((1, 1, 128), lambda t, te: (te[t], 0, 0)),
        ],
        out_specs=pl.BlockSpec((TE, OUT), lambda t, te: (t, 0)),
    )
    y_sorted = pl.pallas_call(
        _expert_kernel,
        grid_spec=grid_spec,
        out_shape=jax.ShapeDtypeStruct((M_PAD, OUT), f32),
        compiler_params=pltpu.CompilerParams(
            dimension_semantics=("arbitrary",)),
    )(tile_expert, rows, bf(exp_W0), exp_b0[:, None, :], bf(exp_W1),
      exp_b1[:, None, :], bf(exp_W2), exp_b2[:, None, :], bf(exp_Wo),
      bo128[:, None, :])

    y1 = y_sorted[pos1]
    y2 = y_sorted[pos2]
    out = pl.pallas_call(
        _combine_kernel,
        grid=(N // TILE,),
        in_specs=[pl.BlockSpec((TILE, 2), lambda i: (i, 0)),
                  pl.BlockSpec((TILE, OUT), lambda i: (i, 0)),
                  pl.BlockSpec((TILE, OUT), lambda i: (i, 0))],
        out_specs=pl.BlockSpec((TILE, OUT), lambda i: (i, 0)),
        out_shape=jax.ShapeDtypeStruct((N, OUT), f32),
        compiler_params=pltpu.CompilerParams(
            dimension_semantics=("arbitrary",)),
    )(g, y1, y2)
    return out

# --- scband reference (transcript-rebuilt; emitter-appended) ---
"""Pipeline reference for scband-conditioning-mo-einr-14104672600556 (READ-ONLY COPY).

The authoritative reference and input builder live on the scoring server;
editing this copy changes nothing except your own understanding.
"""

import jax, jax.numpy as jnp
import numpy as np

N = 16384
IN = 4
NF = 6
ENC_IN = IN * (1 + 2 * NF)
FEAT = 256
PH = 128
E = 8
TOPK = 2
EH = 256
OUT = 1
FUSED = FEAT + PH


def setup_inputs(seed: int = 0) -> dict:
    key = jax.random.key(seed)
    ks = jax.random.split(key, 16)

    def w(k, shape, fan):
        return (jax.random.normal(k, shape, dtype=jnp.float32) / np.sqrt(fan)).astype(jnp.float32)

    return {
        "x": jax.random.normal(ks[0], (N, IN), dtype=jnp.float32),
        "enc_W1": w(ks[1], (ENC_IN, FEAT), ENC_IN), "enc_b1": jnp.zeros((FEAT,), jnp.float32),
        "enc_W2": w(ks[2], (FEAT, FEAT), FEAT), "enc_b2": jnp.zeros((FEAT,), jnp.float32),
        "pol_W1": w(ks[3], (IN, PH), IN), "pol_b1": jnp.zeros((PH,), jnp.float32),
        "pol_W2": w(ks[4], (PH, PH), PH), "pol_b2": jnp.zeros((PH,), jnp.float32),
        "pol_W3": w(ks[5], (PH, PH), PH), "pol_b3": jnp.zeros((PH,), jnp.float32),
        "pol_Wh": w(ks[6], (PH, E), PH), "pol_bh": jnp.zeros((E,), jnp.float32),
        "exp_W0": w(ks[7], (E, FUSED, EH), FUSED), "exp_b0": jnp.zeros((E, EH), jnp.float32),
        "exp_W1": w(ks[8], (E, EH, EH), EH), "exp_b1": jnp.zeros((E, EH), jnp.float32),
        "exp_W2": w(ks[9], (E, EH, EH), EH), "exp_b2": jnp.zeros((E, EH), jnp.float32),
        "exp_Wo": w(ks[10], (E, EH, OUT), EH), "exp_bo": jnp.zeros((E, OUT), jnp.float32),
    }


def reference(x, enc_W1, enc_b1, enc_W2, enc_b2,
              pol_W1, pol_b1, pol_W2, pol_b2, pol_W3, pol_b3, pol_Wh, pol_bh,
              exp_W0, exp_b0, exp_W1, exp_b1, exp_W2, exp_b2, exp_Wo, exp_bo):
    # Positional encoding (num_frequencies=6, include_input=True)
    freqs = (2.0 ** jnp.arange(NF, dtype=jnp.float32)) * jnp.pi
    xb = x[:, :, None] * freqs
    enc = jnp.concatenate([x,
                           jnp.sin(xb).reshape(x.shape[0], -1),
                           jnp.cos(xb).reshape(x.shape[0], -1)], axis=-1)
    # SharedSirenEncoder (SIREN layers, omega_0 = 30)
    h = jnp.sin(30.0 * (enc @ enc_W1 + enc_b1))
    feat = jnp.sin(30.0 * (h @ enc_W2 + enc_b2))
    # PolicyNetwork: SIREN MLP producing hidden features + expert logits
    p = jnp.sin(30.0 * (x @ pol_W1 + pol_b1))
    p = jnp.sin(30.0 * (p @ pol_W2 + pol_b2))
    p = jnp.sin(30.0 * (p @ pol_W3 + pol_b3))
    logits = p @ pol_Wh + pol_bh
    probs = jax.nn.softmax(logits, axis=-1)
    # top-k routing (top_k=2), renormalize gates over the selected experts
    vals, idx = jax.lax.top_k(probs, TOPK)
    gates = vals / jnp.sum(vals, axis=-1, keepdims=True)
    gmat = jnp.zeros_like(probs).at[jnp.arange(probs.shape[0])[:, None], idx].set(gates)
    # fuse encoder features with policy hidden features
    fused = jnp.concatenate([feat, p], axis=-1)
    # ExpertDecoder stack: SIREN MLPs, batched over experts
    h0 = jnp.sin(30.0 * (jnp.einsum('nd,edh->enh', fused, exp_W0) + exp_b0[:, None, :]))
    h1 = jnp.sin(30.0 * (jnp.einsum('enh,ehk->enk', h0, exp_W1) + exp_b1[:, None, :]))
    h2 = jnp.sin(30.0 * (jnp.einsum('enk,ekm->enm', h1, exp_W2) + exp_b2[:, None, :]))
    yo = jnp.einsum('enm,emo->eno', h2, exp_Wo) + exp_bo[:, None, :]
    out = jnp.einsum('ne,eno->no', gmat, yo)
    return out

if __name__ == "__main__":
    import jax
    _d = setup_inputs()
    print(jax.jit(kernel)(*tuple(_d.values())))

</pallas_src>

<mosaic_0001>
module attributes {stable_mosaic.version = 14 : i64} {
  func.func @_front_kernel(%arg0: i32, %arg1: memref<512x4xf32, #tpu.memory_space<vmem>>, %arg2: memref<1x24xf32, #tpu.memory_space<vmem>>, %arg3: memref<512x512xbf16, #tpu.memory_space<vmem>>, %arg4: memref<52x256xbf16, #tpu.memory_space<vmem>>, %arg5: memref<1x256xf32, #tpu.memory_space<vmem>>, %arg6: memref<256x256xbf16, #tpu.memory_space<vmem>>, %arg7: memref<1x256xf32, #tpu.memory_space<vmem>>, %arg8: memref<4x128xbf16, #tpu.memory_space<vmem>>, %arg9: memref<1x128xf32, #tpu.memory_space<vmem>>, %arg10: memref<128x128xbf16, #tpu.memory_space<vmem>>, %arg11: memref<1x128xf32, #tpu.memory_space<vmem>>, %arg12: memref<128x128xbf16, #tpu.memory_space<vmem>>, %arg13: memref<1x128xf32, #tpu.memory_space<vmem>>, %arg14: memref<128x8xbf16, #tpu.memory_space<vmem>>, %arg15: memref<1x8xf32, #tpu.memory_space<vmem>>, %arg16: memref<512x384xf32, #tpu.memory_space<vmem>>, %arg17: memref<512x2xi32, #tpu.memory_space<vmem>>, %arg18: memref<512x2xf32, #tpu.memory_space<vmem>>, %arg19: memref<512x2xi32, #tpu.memory_space<vmem>>, %arg20: memref<1x8xf32, #tpu.memory_space<vmem>>, %arg21: memref<1x8xf32, #tpu.memory_space<vmem>>) attributes {dimension_semantics = [#tpu.dimension_semantics<arbitrary>], iteration_bounds = array<i64: 32>, scalar_prefetch = 0 : i64, scratch_operands = 1 : i64, tpu.core_type = #tpu.core_type<tc>, window_params = [{transform_indices = @transform_0, window_bounds = array<i64: 512, 4>}, {pipeline_mode = #tpu.pipeline_mode<synchronous>, transform_indices = @transform_1, window_bounds = array<i64: 1, 24>}, {pipeline_mode = #tpu.pipeline_mode<synchronous>, transform_indices = @transform_2, window_bounds = array<i64: 512, 512>}, {pipeline_mode = #tpu.pipeline_mode<synchronous>, transform_indices = @transform_3, window_bounds = array<i64: 52, 256>}, {pipeline_mode = #tpu.pipeline_mode<synchronous>, transform_indices = @transform_4, window_bounds = array<i64: 1, 256>}, {pipeline_mode = #tpu.pipeline_mode<synchronous>, transform_indices = @transform_5, window_bounds = array<i64: 256, 256>}, {pipeline_mode = #tpu.pipeline_mode<synchronous>, transform_indices = @transform_6, window_bounds = array<i64: 1, 256>}, {pipeline_mode = #tpu.pipeline_mode<synchronous>, transform_indices = @transform_7, window_bounds = array<i64: 4, 128>}, {pipeline_mode = #tpu.pipeline_mode<synchronous>, transform_indices = @transform_8, window_bounds = array<i64: 1, 128>}, {pipeline_mode = #tpu.pipeline_mode<synchronous>, transform_indices = @transform_9, window_bounds = array<i64: 128, 128>}, {pipeline_mode = #tpu.pipeline_mode<synchronous>, transform_indices = @transform_10, window_bounds = array<i64: 1, 128>}, {pipeline_mode = #tpu.pipeline_mode<synchronous>, transform_indices = @transform_11, window_bounds = array<i64: 128, 128>}, {pipeline_mode = #tpu.pipeline_mode<synchronous>, transform_indices = @transform_12, window_bounds = array<i64: 1, 128>}, {pipeline_mode = #tpu.pipeline_mode<synchronous>, transform_indices = @transform_13, window_bounds = array<i64: 128, 8>}, {pipeline_mode = #tpu.pipeline_mode<synchronous>, transform_indices = @transform_14, window_bounds = array<i64: 1, 8>}, {transform_indices = @transform_15, window_bounds = array<i64: 512, 384>}, {transform_indices = @transform_16, window_bounds = array<i64: 512, 2>}, {transform_indices = @transform_17, window_bounds = array<i64: 512, 2>}, {transform_indices = @transform_18, window_bounds = array<i64: 512, 2>}, {pipeline_mode = #tpu.pipeline_mode<synchronous>, transform_indices = @transform_19, window_bounds = array<i64: 1, 8>}]} {
    %get3A = arith.constant 0 : index
    %get3A_0 = arith.constant 0 : index
    %get3A_1 = vector.load %arg1[%get3A, %get3A_0] : memref<512x4xf32, #tpu.memory_space<vmem>>, vector<512x4xf32>
    %broadcast_in_dim3A = vector.shape_cast %get3A_1 : vector<512x4xf32> to vector<512x4x1xf32>
    %broadcast_in_dim3A_2 = vector.broadcast %broadcast_in_dim3A : vector<512x4x1xf32> to vector<512x4x6xf32>
    %reshape3A = vector.shape_cast %broadcast_in_dim3A_2 : vector<512x4x6xf32> to vector<512x24xf32>
    %get3A_3 = arith.constant 0 : index
    %get3A_4 = arith.constant 0 : index
    %get3A_5 = vector.load %arg2[%get3A_3, %get3A_4] : memref<1x24xf32, #tpu.memory_space<vmem>>, vector<1x24xf32>
    %mul3A = vector.broadcast %get3A_5 : vector<1x24xf32> to vector<512x24xf32>
    %mul3A_6 = arith.mulf %reshape3A, %mul3A : vector<512x24xf32>
    %sin3A = math.sin %mul3A_6 : vector<512x24xf32>
    %cos3A = math.cos %mul3A_6 : vector<512x24xf32>
    %concatenate3A = tpu.concatenate %get3A_1, %sin3A, %cos3A in 1 : vector<512x4xf32>, vector<512x24xf32>, vector<512x24xf32> -> vector<512x52xf32>
    %get3A_7 = arith.constant 0 : index
    %get3A_8 = arith.constant 0 : index
    %get3A_9 = vector.load %arg4[%get3A_7, %get3A_8] : memref<52x256xbf16, #tpu.memory_space<vmem>>, vector<52x256xbf16>
    %dot_general3A = arith.constant dense<0.000000e+00> : vector<512x256xf32>
    %dot_general3A_10 = tpu.matmul %concatenate3A, %get3A_9, %dot_general3A {dimension_numbers = #tpu.dot_dimension_numbers<[1], [0], [0], [1], [0, 0, 1, 1], [], []>, transpose_lhs_hint = false} : vector<512x52xf32>, vector<52x256xbf16>, vector<512x256xf32> -> vector<512x256xf32>
    %get3A_11 = arith.constant 0 : index
    %get3A_12 = arith.constant 0 : index
    %get3A_13 = vector.load %arg5[%get3A_11, %get3A_12] : memref<1x256xf32, #tpu.memory_space<vmem>>, vector<1x256xf32>
    %add3A = vector.broadcast %get3A_13 : vector<1x256xf32> to vector<512x256xf32>
    %add3A_14 = arith.addf %dot_general3A_10, %add3A : vector<512x256xf32>
    %mul3A_15 = arith.constant 3.000000e+01 : f32
    %mul3A_16 = vector.broadcast %mul3A_15 : f32 to vector<512x256xf32>
    %mul3A_17 = arith.mulf %mul3A_16, %add3A_14 : vector<512x256xf32>
    %sin3A_18 = math.sin %mul3A_17 : vector<512x256xf32>
    %get3A_19 = arith.constant 0 : index
    %get3A_20 = arith.constant 0 : index
    %get3A_21 = vector.load %arg6[%get3A_19, %get3A_20] : memref<256x256xbf16, #tpu.memory_space<vmem>>, vector<256x256xbf16>
    %dot_general3A_22 = arith.constant dense<0.000000e+00> : vector<512x256xf32>
    %dot_general3A_23 = tpu.matmul %sin3A_18, %get3A_21, %dot_general3A_22 {dimension_numbers = #tpu.dot_dimension_numbers<[1], [0], [0], [1], [0, 0, 1, 1], [], []>, transpose_lhs_hint = false} : vector<512x256xf32>, vector<256x256xbf16>, vector<512x256xf32> -> vector<512x256xf32>
    %get3A_24 = arith.constant 0 : index
    %get3A_25 = arith.constant 0 : index
    %get3A_26 = vector.load %arg7[%get3A_24, %get3A_25] : memref<1x256xf32, #tpu.memory_space<vmem>>, vector<1x256xf32>
    %add3A_27 = vector.broadcast %get3A_26 : vector<1x256xf32> to vector<512x256xf32>
    %add3A_28 = arith.addf %dot_general3A_23, %add3A_27 : vector<512x256xf32>
    %mul3A_29 = arith.constant 3.000000e+01 : f32
    %mul3A_30 = vector.broadcast %mul3A_29 : f32 to vector<512x256xf32>
    %mul3A_31 = arith.mulf %mul3A_30, %add3A_28 : vector<512x256xf32>
    %sin3A_32 = math.sin %mul3A_31 : vector<512x256xf32>
    %get3A_33 = arith.constant 0 : index
    %get3A_34 = arith.constant 0 : index
    %get3A_35 = vector.load %arg8[%get3A_33, %get3A_34] : memref<4x128xbf16, #tpu.memory_space<vmem>>, vector<4x128xbf16>
    %dot_general3A_36 = arith.constant dense<0.000000e+00> : vector<512x128xf32>
    %dot_general3A_37 = tpu.matmul %get3A_1, %get3A_35, %dot_general3A_36 {dimension_numbers = #tpu.dot_dimension_numbers<[1], [0], [0], [1], [0, 0, 1, 1], [], []>, transpose_lhs_hint = false} : vector<512x4xf32>, vector<4x128xbf16>, vector<512x128xf32> -> vector<512x128xf32>
    %get3A_38 = arith.constant 0 : index
    %get3A_39 = arith.constant 0 : index
    %get3A_40 = vector.load %arg9[%get3A_38, %get3A_39] : memref<1x128xf32, #tpu.memory_space<vmem>>, vector<1x128xf32>
    %add3A_41 = vector.broadcast %get3A_40 : vector<1x128xf32> to vector<512x128xf32>
    %add3A_42 = arith.addf %dot_general3A_37, %add3A_41 : vector<512x128xf32>
    %mul3A_43 = arith.constant 3.000000e+01 : f32
    %mul3A_44 = vector.broadcast %mul3A_43 : f32 to vector<512x128xf32>
    %mul3A_45 = arith.mulf %mul3A_44, %add3A_42 : vector<512x128xf32>
    %sin3A_46 = math.sin %mul3A_45 : vector<512x128xf32>
    %get3A_47 = arith.constant 0 : index
    %get3A_48 = arith.constant 0 : index
    %get3A_49 = vector.load %arg10[%get3A_47, %get3A_48] : memref<128x128xbf16, #tpu.memory_space<vmem>>, vector<128x128xbf16>
    %dot_general3A_50 = arith.constant dense<0.000000e+00> : vector<512x128xf32>
    %dot_general3A_51 = tpu.matmul %sin3A_46, %get3A_49, %dot_general3A_50 {dimension_numbers = #tpu.dot_dimension_numbers<[1], [0], [0], [1], [0, 0, 1, 1], [], []>, transpose_lhs_hint = false} : vector<512x128xf32>, vector<128x128xbf16>, vector<512x128xf32> -> vector<512x128xf32>
    %get3A_52 = arith.constant 0 : index
    %get3A_53 = arith.constant 0 : index
    %get3A_54 = vector.load %arg11[%get3A_52, %get3A_53] : memref<1x128xf32, #tpu.memory_space<vmem>>, vector<1x128xf32>
    %add3A_55 = vector.broadcast %get3A_54 : vector<1x128xf32> to vector<512x128xf32>
    %add3A_56 = arith.addf %dot_general3A_51, %add3A_55 : vector<512x128xf32>
    %mul3A_57 = arith.constant 3.000000e+01 : f32
    %mul3A_58 = vector.broadcast %mul3A_57 : f32 to vector<512x128xf32>
    %mul3A_59 = arith.mulf %mul3A_58, %add3A_56 : vector<512x128xf32>
    %sin3A_60 = math.sin %mul3A_59 : vector<512x128xf32>
    %get3A_61 = arith.constant 0 : index
    %get3A_62 = arith.constant 0 : index
    %get3A_63 = vector.load %arg12[%get3A_61, %get3A_62] : memref<128x128xbf16, #tpu.memory_space<vmem>>, vector<128x128xbf16>
    %dot_general3A_64 = arith.constant dense<0.000000e+00> : vector<512x128xf32>
    %dot_general3A_65 = tpu.matmul %sin3A_60, %get3A_63, %dot_general3A_64 {dimension_numbers = #tpu.dot_dimension_numbers<[1], [0], [0], [1], [0, 0, 1, 1], [], []>, transpose_lhs_hint = false} : vector<512x128xf32>, vector<128x128xbf16>, vector<512x128xf32> -> vector<512x128xf32>
    %get3A_66 = arith.constant 0 : index
    %get3A_67 = arith.constant 0 : index
    %get3A_68 = vector.load %arg13[%get3A_66, %get3A_67] : memref<1x128xf32, #tpu.memory_space<vmem>>, vector<1x128xf32>
    %add3A_69 = vector.broadcast %get3A_68 : vector<1x128xf32> to vector<512x128xf32>
    %add3A_70 = arith.addf %dot_general3A_65, %add3A_69 : vector<512x128xf32>
    %mul3A_71 = arith.constant 3.000000e+01 : f32
    %mul3A_72 = vector.broadcast %mul3A_71 : f32 to vector<512x128xf32>
    %mul3A_73 = arith.mulf %mul3A_72, %add3A_70 : vector<512x128xf32>
    %sin3A_74 = math.sin %mul3A_73 : vector<512x128xf32>
    %get3A_75 = arith.constant 0 : index
    %get3A_76 = arith.constant 0 : index
    %get3A_77 = vector.load %arg14[%get3A_75, %get3A_76] : memref<128x8xbf16, #tpu.memory_space<vmem>>, vector<128x8xbf16>
    %dot_general3A_78 = arith.constant dense<0.000000e+00> : vector<512x8xf32>
    %dot_general3A_79 = tpu.matmul %sin3A_74, %get3A_77, %dot_general3A_78 {dimension_numbers = #tpu.dot_dimension_numbers<[1], [0], [0], [1], [0, 0, 1, 1], [], []>, transpose_lhs_hint = false} : vector<512x128xf32>, vector<128x8xbf16>, vector<512x8xf32> -> vector<512x8xf32>
    %get3A_80 = arith.constant 0 : index
    %get3A_81 = arith.constant 0 : index
    %get3A_82 = vector.load %arg15[%get3A_80, %get3A_81] : memref<1x8xf32, #tpu.memory_space<vmem>>, vector<1x8xf32>
    %add3A_83 = vector.broadcast %get3A_82 : vector<1x8xf32> to vector<512x8xf32>
    %add3A_84 = arith.addf %dot_general3A_79, %add3A_83 : vector<512x8xf32>
    %iota3A = tpu.iota {dimensions = array<i32: 1>} : vector<512x8xi32>
    %reduce_max3A = arith.constant dense<0xFF800000> : vector<512xf32>
    %reduce_max3A_85 = vector.multi_reduction <maximumf>, %add3A_84, %reduce_max3A [1] : vector<512x8xf32> to vector<512xf32>
    %broadcast_in_dim3A_86 = vector.shape_cast %reduce_max3A_85 : vector<512xf32> to vector<512x1xf32>
    %ge3A = vector.broadcast %broadcast_in_dim3A_86 : vector<512x1xf32> to vector<512x8xf32>
    %ge3A_87 = arith.cmpf oge, %add3A_84, %ge3A : vector<512x8xf32>
    %jit3A = arith.constant 8 : i32
    %broadcast_in_dim3A_88 = vector.broadcast %jit3A : i32 to vector<512x8xi32>
    %select_n3A = arith.select %ge3A_87, %iota3A, %broadcast_in_dim3A_88 : vector<512x8xi1>, vector<512x8xi32>
    %reduce_min3A = arith.constant dense<2147483647> : vector<512xi32>
    %reduce_min3A_89 = vector.multi_reduction <minsi>, %select_n3A, %reduce_min3A [1] : vector<512x8xi32> to vector<512xi32>
    %broadcast_in_dim3A_90 = vector.shape_cast %reduce_min3A_89 : vector<512xi32> to vector<512x1xi32>
    %eq3A = vector.broadcast %broadcast_in_dim3A_90 : vector<512x1xi32> to vector<512x8xi32>
    %eq3A_91 = arith.cmpi eq, %iota3A, %eq3A : vector<512x8xi32>
    %jit3A_92 = arith.constant 0xFF800000 : f32
    %broadcast_in_dim3A_93 = vector.broadcast %jit3A_92 : f32 to vector<512x8xf32>
    %select_n3A_94 = arith.select %eq3A_91, %broadcast_in_dim3A_93, %add3A_84 : vector<512x8xi1>, vector<512x8xf32>
    %reduce_max3A_95 = arith.constant dense<0xFF800000> : vector<512xf32>
    %reduce_max3A_96 = vector.multi_reduction <maximumf>, %select_n3A_94, %reduce_max3A_95 [1] : vector<512x8xf32> to vector<512xf32>
    %broadcast_in_dim3A_97 = vector.shape_cast %reduce_max3A_96 : vector<512xf32> to vector<512x1xf32>
    %ge3A_98 = vector.broadcast %broadcast_in_dim3A_97 : vector<512x1xf32> to vector<512x8xf32>
    %ge3A_99 = arith.cmpf oge, %select_n3A_94, %ge3A_98 : vector<512x8xf32>
    %jit3A_100 = arith.constant 8 : i32
    %broadcast_in_dim3A_101 = vector.broadcast %jit3A_100 : i32 to vector<512x8xi32>
    %select_n3A_102 = arith.select %ge3A_99, %iota3A, %broadcast_in_dim3A_101 : vector<512x8xi1>, vector<512x8xi32>
    %reduce_min3A_103 = arith.constant dense<2147483647> : vector<512xi32>
    %reduce_min3A_104 = vector.multi_reduction <minsi>, %select_n3A_102, %reduce_min3A_103 [1] : vector<512x8xi32> to vector<512xi32>
    %broadcast_in_dim3A_105 = vector.shape_cast %reduce_min3A_104 : vector<512xi32> to vector<512x1xi32>
    %sub3A = arith.subf %broadcast_in_dim3A_97, %broadcast_in_dim3A_86 : vector<512x1xf32>
    %exp3A = math.exp %sub3A : vector<512x1xf32>
    %add3A_106 = arith.constant 1.000000e+00 : f32
    %add3A_107 = vector.broadcast %add3A_106 : f32 to vector<512x1xf32>
    %add3A_108 = arith.addf %add3A_107, %exp3A : vector<512x1xf32>
    %div3A = arith.constant 1.000000e+00 : f32
    %div3A_109 = vector.broadcast %div3A : f32 to vector<512x1xf32>
    %div3A_110 = arith.divf %div3A_109, %add3A_108 : vector<512x1xf32>
    %add3A_111 = arith.constant 1.000000e+00 : f32
    %add3A_112 = vector.broadcast %add3A_111 : f32 to vector<512x1xf32>
    %add3A_113 = arith.addf %add3A_112, %exp3A : vector<512x1xf32>
    %div3A_114 = arith.divf %exp3A, %add3A_113 : vector<512x1xf32>
    %concatenate3A_115 = tpu.concatenate %sin3A_32, %sin3A_74 in 1 : vector<512x256xf32>, vector<512x128xf32> -> vector<512x384xf32>
    %swap3A = arith.constant 0 : index
    %swap3A_116 = arith.constant 0 : index
    %swap3A_117 = vector.load %arg16[%swap3A, %swap3A_116] : memref<512x384xf32, #tpu.memory_space<vmem>>, vector<512x384xf32>
    tpu.vector_store %arg16[%swap3A, %swap3A_116], %concatenate3A_115 {strides = array<i32>} : memref<512x384xf32, #tpu.memory_space<vmem>>, vector<512x384xf32>,
    %concatenate3A_118 = tpu.concatenate %broadcast_in_dim3A_90, %broadcast_in_dim3A_105 in 1 : vector<512x1xi32>, vector<512x1xi32> -> vector<512x2xi32>
    %swap3A_119 = arith.constant 0 : index
    %swap3A_120 = arith.constant 0 : index
    %swap3A_121 = vector.load %arg17[%swap3A_119, %swap3A_120] : memref<512x2xi32, #tpu.memory_space<vmem>>, vector<512x2xi32>
    tpu.vector_store %arg17[%swap3A_119, %swap3A_120], %concatenate3A_118 {strides = array<i32>} : memref<512x2xi32, #tpu.memory_space<vmem>>, vector<512x2xi32>,
    %concatenate3A_122 = tpu.concatenate %div3A_110, %div3A_114 in 1 : vector<512x1xf32>, vector<512x1xf32> -> vector<512x2xf32>
    %swap3A_123 = arith.constant 0 : index
    %swap3A_124 = arith.constant 0 : index
    %swap3A_125 = vector.load %arg18[%swap3A_123, %swap3A_124] : memref<512x2xf32, #tpu.memory_space<vmem>>, vector<512x2xf32>
    tpu.vector_store %arg18[%swap3A_123, %swap3A_124], %concatenate3A_122 {strides = array<i32>} : memref<512x2xf32, #tpu.memory_space<vmem>>, vector<512x2xf32>,
    %eq3A_126 = arith.constant 0 : i32
    %eq3A_127 = arith.cmpi eq, %arg0, %eq3A_126 : i32
    %convert_element_type3A = arith.extui %eq3A_127 : i1 to i32
    %cond3A = arith.constant 0 : i32
    %cond3A_128 = arith.cmpi ne, %convert_element_type3A, %cond3A : i32
    scf.if %cond3A_128 {
      %broadcast_in_dim3A_176 = arith.constant 0.000000e+00 : f32
      %broadcast_in_dim3A_177 = vector.broadcast %broadcast_in_dim3A_176 : f32 to vector<1x8xf32>
      %swap3A_178 = arith.constant 0 : index
      %swap3A_179 = arith.constant 0 : index
      %swap3A_180 = vector.load %arg21[%swap3A_178, %swap3A_179] : memref<1x8xf32, #tpu.memory_space<vmem>>, vector<1x8xf32>
      tpu.vector_store %arg21[%swap3A_178, %swap3A_179], %broadcast_in_dim3A_177 {strides = array<i32>} : memref<1x8xf32, #tpu.memory_space<vmem>>, vector<1x8xf32>,
    } else {
    }
    %get3A_129 = arith.constant 0 : index
    %get3A_130 = arith.constant 0 : index
    %get3A_131 = vector.load %arg21[%get3A_129, %get3A_130] : memref<1x8xf32, #tpu.memory_space<vmem>>, vector<1x8xf32>
    %convert_element_type3A_132 = arith.extui %eq3A_91 : vector<512x8xi1> to vector<512x8xi32>
    %convert_element_type3A_133 = arith.sitofp %convert_element_type3A_132 : vector<512x8xi32> to vector<512x8xf32>
    %eq3A_134 = vector.broadcast %broadcast_in_dim3A_105 : vector<512x1xi32> to vector<512x8xi32>
    %eq3A_135 = arith.cmpi eq, %iota3A, %eq3A_134 : vector<512x8xi32>
    %convert_element_type3A_136 = arith.extui %eq3A_135 : vector<512x8xi1> to vector<512x8xi32>
    %convert_element_type3A_137 = arith.sitofp %convert_element_type3A_136 : vector<512x8xi32> to vector<512x8xf32>
    %get3A_138 = arith.constant 0 : index
    %get3A_139 = arith.constant 0 : index
    %get3A_140 = vector.load %arg3[%get3A_138, %get3A_139] : memref<512x512xbf16, #tpu.memory_space<vmem>>, vector<512x512xbf16>
    %dot_general3A_141 = arith.constant dense<0.000000e+00> : vector<512x8xf32>
    %dot_general3A_142 = tpu.matmul %get3A_140, %convert_element_type3A_133, %dot_general3A_141 {dimension_numbers = #tpu.dot_dimension_numbers<[1], [0], [0], [1], [0, 0, 1, 1], [], []>, transpose_lhs_hint = false} : vector<512x512xbf16>, vector<512x8xf32>, vector<512x8xf32> -> vector<512x8xf32>
    %dot_general3A_143 = arith.constant dense<0.000000e+00> : vector<512x8xf32>
    %dot_general3A_144 = tpu.matmul %get3A_140, %convert_element_type3A_137, %dot_general3A_143 {dimension_numbers = #tpu.dot_dimension_numbers<[1], [0], [0], [1], [0, 0, 1, 1], [], []>, transpose_lhs_hint = false} : vector<512x512xbf16>, vector<512x8xf32>, vector<512x8xf32> -> vector<512x8xf32>
    %reduce_sum3A = arith.constant dense<0.000000e+00> : vector<8xf32>
    %reduce_sum3A_145 = vector.multi_reduction <add>, %convert_element_type3A_133, %reduce_sum3A [0] : vector<512x8xf32> to vector<8xf32>
    %broadcast_in_dim3A_146 = vector.shape_cast %reduce_sum3A_145 : vector<8xf32> to vector<1x8xf32>
    %reduce_sum3A_147 = arith.constant dense<0.000000e+00> : vector<8xf32>
    %reduce_sum3A_148 = vector.multi_reduction <add>, %convert_element_type3A_137, %reduce_sum3A_147 [0] : vector<512x8xf32> to vector<8xf32>
    %broadcast_in_dim3A_149 = vector.shape_cast %reduce_sum3A_148 : vector<8xf32> to vector<1x8xf32>
    %add3A_150 = vector.broadcast %get3A_131 : vector<1x8xf32> to vector<512x8xf32>
    %add3A_151 = arith.addf %add3A_150, %dot_general3A_142 : vector<512x8xf32>
    %mul3A_152 = arith.mulf %convert_element_type3A_133, %add3A_151 : vector<512x8xf32>
    %reduce_sum3A_153 = arith.constant dense<0.000000e+00> : vector<512xf32>
    %reduce_sum3A_154 = vector.multi_reduction <add>, %mul3A_152, %reduce_sum3A_153 [1] : vector<512x8xf32> to vector<512xf32>
    %broadcast_in_dim3A_155 = vector.shape_cast %reduce_sum3A_154 : vector<512xf32> to vector<512x1xf32>
    %add3A_156 = arith.addf %get3A_131, %broadcast_in_dim3A_146 : vector<1x8xf32>
    %add3A_157 = vector.broadcast %add3A_156 : vector<1x8xf32> to vector<512x8xf32>
    %add3A_158 = arith.addf %add3A_157, %dot_general3A_144 : vector<512x8xf32>
    %mul3A_159 = arith.mulf %convert_element_type3A_137, %add3A_158 : vector<512x8xf32>
    %reduce_sum3A_160 = arith.constant dense<0.000000e+00> : vector<512xf32>
    %reduce_sum3A_161 = vector.multi_reduction <add>, %mul3A_159, %reduce_sum3A_160 [1] : vector<512x8xf32> to vector<512xf32>
    %broadcast_in_dim3A_162 = vector.shape_cast %reduce_sum3A_161 : vector<512xf32> to vector<512x1xf32>
    %concatenate3A_163 = tpu.concatenate %broadcast_in_dim3A_155, %broadcast_in_dim3A_162 in 1 : vector<512x1xf32>, vector<512x1xf32> -> vector<512x2xf32>
    %convert_element_type3A_164 = arith.fptosi %concatenate3A_163 : vector<512x2xf32> to vector<512x2xi32>
    %swap3A_165 = arith.constant 0 : index
    %swap3A_166 = arith.constant 0 : index
    %swap3A_167 = vector.load %arg19[%swap3A_165, %swap3A_166] : memref<512x2xi32, #tpu.memory_space<vmem>>, vector<512x2xi32>
    tpu.vector_store %arg19[%swap3A_165, %swap3A_166], %convert_element_type3A_164 {strides = array<i32>} : memref<512x2xi32, #tpu.memory_space<vmem>>, vector<512x2xi32>,
    %add3A_168 = arith.addf %get3A_131, %broadcast_in_dim3A_146 : vector<1x8xf32>
    %add3A_169 = arith.addf %add3A_168, %broadcast_in_dim3A_149 : vector<1x8xf32>
    %swap3A_170 = arith.constant 0 : index
    %swap3A_171 = arith.constant 0 : index
    %swap3A_172 = vector.load %arg21[%swap3A_170, %swap3A_171] : memref<1x8xf32, #tpu.memory_space<vmem>>, vector<1x8xf32>
    tpu.vector_store %arg21[%swap3A_170, %swap3A_171], %add3A_169 {strides = array<i32>} : memref<1x8xf32, #tpu.memory_space<vmem>>, vector<1x8xf32>,
    %swap3A_173 = arith.constant 0 : index
    %swap3A_174 = arith.constant 0 : index
    %swap3A_175 = vector.load %arg20[%swap3A_173, %swap3A_174] : memref<1x8xf32, #tpu.memory_space<vmem>>, vector<1x8xf32>
    tpu.vector_store %arg20[%swap3A_173, %swap3A_174], %add3A_169 {strides = array<i32>} : memref<1x8xf32, #tpu.memory_space<vmem>>, vector<1x8xf32>,
    return
  }
  func.func @transform_0(%arg0: i32) -> (i32, i32) {
    %c0_i32 = arith.constant 0 : i32
    %c0_i32_0 = arith.constant 0 : i32
    return %arg0, %c0_i32 : i32, i32
  }
  func.func @transform_1(%arg0: i32) -> (i32, i32) {
    %c0_i32 = arith.constant 0 : i32
    %c0_i32_0 = arith.constant 0 : i32
    %c0_i32_1 = arith.constant 0 : i32
    return %c0_i32, %c0_i32_0 : i32, i32
  }
  func.func @transform_2(%arg0: i32) -> (i32, i32) {
    %c0_i32 = arith.constant 0 : i32
    %c0_i32_0 = arith.constant 0 : i32
    %c0_i32_1 = arith.constant 0 : i32
    return %c0_i32, %c0_i32_0 : i32, i32
  }
  func.func @transform_3(%arg0: i32) -> (i32, i32) {
    %c0_i32 = arith.constant 0 : i32
    %c0_i32_0 = arith.constant 0 : i32
    %c0_i32_1 = arith.constant 0 : i32
    return %c0_i32, %c0_i32_0 : i32, i32
  }
  func.func @transform_4(%arg0: i32) -> (i32, i32) {
    %c0_i32 = arith.constant 0 : i32
    %c0_i32_0 = arith.constant 0 : i32
    %c0_i32_1 = arith.constant 0 : i32
    return %c0_i32, %c0_i32_0 : i32, i32
  }
  func.func @transform_5(%arg0: i32) -> (i32, i32) {
    %c0_i32 = arith.constant 0 : i32
    %c0_i32_0 = arith.constant 0 : i32
    %c0_i32_1 = arith.constant 0 : i32
    return %c0_i32, %c0_i32_0 : i32, i32
  }
  func.func @transform_6(%arg0: i32) -> (i32, i32) {
    %c0_i32 = arith.constant 0 : i32
    %c0_i32_0 = arith.constant 0 : i32
    %c0_i32_1 = arith.constant 0 : i32
    return %c0_i32, %c0_i32_0 : i32, i32
  }
  func.func @transform_7(%arg0: i32) -> (i32, i32) {
    %c0_i32 = arith.constant 0 : i32
    %c0_i32_0 = arith.constant 0 : i32
    %c0_i32_1 = arith.constant 0 : i32
    return %c0_i32, %c0_i32_0 : i32, i32
  }
  func.func @transform_8(%arg0: i32) -> (i32, i32) {
    %c0_i32 = arith.constant 0 : i32
    %c0_i32_0 = arith.constant 0 : i32
    %c0_i32_1 = arith.constant 0 : i32
    return %c0_i32, %c0_i32_0 : i32, i32
  }
  func.func @transform_9(%arg0: i32) -> (i32, i32) {
    %c0_i32 = arith.constant 0 : i32
    %c0_i32_0 = arith.constant 0 : i32
    %c0_i32_1 = arith.constant 0 : i32
    return %c0_i32, %c0_i32_0 : i32, i32
  }
  func.func @transform_10(%arg0: i32) -> (i32, i32) {
    %c0_i32 = arith.constant 0 : i32
    %c0_i32_0 = arith.constant 0 : i32
    %c0_i32_1 = arith.constant 0 : i32
    return %c0_i32, %c0_i32_0 : i32, i32
  }
  func.func @transform_11(%arg0: i32) -> (i32, i32) {
    %c0_i32 = arith.constant 0 : i32
    %c0_i32_0 = arith.constant 0 : i32
    %c0_i32_1 = arith.constant 0 : i32
    return %c0_i32, %c0_i32_0 : i32, i32
  }
  func.func @transform_12(%arg0: i32) -> (i32, i32) {
    %c0_i32 = arith.constant 0 : i32
    %c0_i32_0 = arith.constant 0 : i32
    %c0_i32_1 = arith.constant 0 : i32
    return %c0_i32, %c0_i32_0 : i32, i32
  }
  func.func @transform_13(%arg0: i32) -> (i32, i32) {
    %c0_i32 = arith.constant 0 : i32
    %c0_i32_0 = arith.constant 0 : i32
    %c0_i32_1 = arith.constant 0 : i32
    return %c0_i32, %c0_i32_0 : i32, i32
  }
  func.func @transform_14(%arg0: i32) -> (i32, i32) {
    %c0_i32 = arith.constant 0 : i32
    %c0_i32_0 = arith.constant 0 : i32
    %c0_i32_1 = arith.constant 0 : i32
    return %c0_i32, %c0_i32_0 : i32, i32
  }
  func.func @transform_15(%arg0: i32) -> (i32, i32) {
    %c0_i32 = arith.constant 0 : i32
    %c0_i32_0 = arith.constant 0 : i32
    return %arg0, %c0_i32 : i32, i32
  }
  func.func @transform_16(%arg0: i32) -> (i32, i32) {
    %c0_i32 = arith.constant 0 : i32
    %c0_i32_0 = arith.constant 0 : i32
    return %arg0, %c0_i32 : i32, i32
  }
  func.func @transform_17(%arg0: i32) -> (i32, i32) {
    %c0_i32 = arith.constant 0 : i32
    %c0_i32_0 = arith.constant 0 : i32
    return %arg0, %c0_i32 : i32, i32
  }
  func.func @transform_18(%arg0: i32) -> (i32, i32) {
    %c0_i32 = arith.constant 0 : i32
    %c0_i32_0 = arith.constant 0 : i32
    return %arg0, %c0_i32 : i32, i32
  }
  func.func @transform_19(%arg0: i32) -> (i32, i32) {
    %c0_i32 = arith.constant 0 : i32
    %c0_i32_0 = arith.constant 0 : i32
    %c0_i32_1 = arith.constant 0 : i32
    return %c0_i32, %c0_i32_0 : i32, i32
  }
}

module attributes {stable_mosaic.version = 14 : i64} {
  func.func @_expert_kernel(%arg0: i32, %arg1: memref<136xi32, #tpu.memory_space<smem>>, %arg2: memref<256x384xf32, #tpu.memory_space<vmem>>, %arg3: memref<1x384x256xbf16, #tpu.memory_space<vmem>>, %arg4: memref<1x1x256xf32, #tpu.memory_space<vmem>>, %arg5: memref<1x256x256xbf16, #tpu.memory_space<vmem>>, %arg6: memref<1x1x256xf32, #tpu.memory_space<vmem>>, %arg7: memref<1x256x256xbf16, #tpu.memory_space<vmem>>, %arg8: memref<1x1x256xf32, #tpu.memory_space<vmem>>, %arg9: memref<1x256x1xbf16, #tpu.memory_space<vmem>>, %arg10: memref<1x1x128xf32, #tpu.memory_space<vmem>>, %arg11: memref<256x1xf32, #tpu.memory_space<vmem>>) attributes {dimension_semantics = [#tpu.dimension_semantics<arbitrary>], iteration_bounds = array<i64: 136>, scalar_prefetch = 1 : i64, scratch_operands = 0 : i64, tpu.core_type = #tpu.core_type<tc>, window_params = [{transform_indices = @transform_0, window_bounds = array<i64: 256, 384>}, {transform_indices = @transform_1, window_bounds = array<i64: 1, 384, 256>}, {transform_indices = @transform_2, window_bounds = array<i64: 1, 1, 256>}, {transform_indices = @transform_3, window_bounds = array<i64: 1, 256, 256>}, {transform_indices = @transform_4, window_bounds = array<i64: 1, 1, 256>}, {transform_indices = @transform_5, window_bounds = array<i64: 1, 256, 256>}, {transform_indices = @transform_6, window_bounds = array<i64: 1, 1, 256>}, {transform_indices = @transform_7, window_bounds = array<i64: 1, 256, 1>}, {transform_indices = @transform_8, window_bounds = array<i64: 1, 1, 128>}, {transform_indices = @transform_9, window_bounds = array<i64: 256, 1>}]} {
    %get3A = arith.constant 0 : index
    %get3A_0 = arith.constant 0 : index
    %get3A_1 = vector.load %arg2[%get3A, %get3A_0] : memref<256x384xf32, #tpu.memory_space<vmem>>, vector<256x384xf32>
    %get3A_2 = arith.constant 0 : index
    %get3A_3 = arith.constant 0 : index
    %get3A_4 = arith.constant 0 : index
    %get3A_5 = vector.load %arg3[%get3A_2, %get3A_3, %get3A_4] : memref<1x384x256xbf16, #tpu.memory_space<vmem>>, vector<1x384x256xbf16>
    %get3A_6 = vector.shape_cast %get3A_5 : vector<1x384x256xbf16> to vector<384x256xbf16>
    %dot_general3A = arith.constant dense<0.000000e+00> : vector<256x256xf32>
    %dot_general3A_7 = tpu.matmul %get3A_1, %get3A_6, %dot_general3A {dimension_numbers = #tpu.dot_dimension_numbers<[1], [0], [0], [1], [0, 0, 1, 1], [], []>, transpose_lhs_hint = false} : vector<256x384xf32>, vector<384x256xbf16>, vector<256x256xf32> -> vector<256x256xf32>
    %get3A_8 = arith.constant 0 : index
    %get3A_9 = arith.constant 0 : index
    %get3A_10 = arith.constant 0 : index
    %get3A_11 = vector.load %arg4[%get3A_8, %get3A_9, %get3A_10] : memref<1x1x256xf32, #tpu.memory_space<vmem>>, vector<1x1x256xf32>
    %get3A_12 = vector.shape_cast %get3A_11 : vector<1x1x256xf32> to vector<1x256xf32>
    %add3A = vector.broadcast %get3A_12 : vector<1x256xf32> to vector<256x256xf32>
    %add3A_13 = arith.addf %dot_general3A_7, %add3A : vector<256x256xf32>
    %mul3A = arith.constant 3.000000e+01 : f32
    %mul3A_14 = vector.broadcast %mul3A : f32 to vector<256x256xf32>
    %mul3A_15 = arith.mulf %mul3A_14, %add3A_13 : vector<256x256xf32>
    %mul3A_16 = arith.constant 0.636619746 : f32
    %mul3A_17 = vector.broadcast %mul3A_16 : f32 to vector<256x256xf32>
    %mul3A_18 = arith.mulf %mul3A_15, %mul3A_17 : vector<256x256xf32>
    %add3A_19 = arith.constant 0x4B400000 : f32
    %add3A_20 = vector.broadcast %add3A_19 : f32 to vector<256x256xf32>
    %add3A_21 = arith.addf %mul3A_18, %add3A_20 : vector<256x256xf32>
    %bitcast_convert_type3A = tpu.bitcast %add3A_21 : vector<256x256xf32> -> vector<256x256xi32>
    %sub3A = arith.constant 1262485504 : i32
    %sub3A_22 = vector.broadcast %sub3A : i32 to vector<256x256xi32>
    %sub3A_23 = arith.subi %bitcast_convert_type3A, %sub3A_22 : vector<256x256xi32>
    %convert_element_type3A = arith.sitofp %sub3A_23 : vector<256x256xi32> to vector<256x256xf32>
    %mul3A_24 = arith.constant 1.5703125 : f32
    %mul3A_25 = vector.broadcast %mul3A_24 : f32 to vector<256x256xf32>
    %mul3A_26 = arith.mulf %convert_element_type3A, %mul3A_25 : vector<256x256xf32>
    %sub3A_27 = arith.subf %mul3A_15, %mul3A_26 : vector<256x256xf32>
    %mul3A_28 = arith.constant 4.83825803E-4 : f32
    %mul3A_29 = vector.broadcast %mul3A_28 : f32 to vector<256x256xf32>
    %mul3A_30 = arith.mulf %convert_element_type3A, %mul3A_29 : vector<256x256xf32>
    %sub3A_31 = arith.subf %sub3A_27, %mul3A_30 : vector<256x256xf32>
    %mul3A_32 = arith.constant 9.92093518E-10 : f32
    %mul3A_33 = vector.broadcast %mul3A_32 : f32 to vector<256x256xf32>
    %mul3A_34 = arith.mulf %convert_element_type3A, %mul3A_33 : vector<256x256xf32>
    %sub3A_35 = arith.subf %sub3A_31, %mul3A_34 : vector<256x256xf32>
    %mul3A_36 = arith.mulf %sub3A_35, %sub3A_35 : vector<256x256xf32>
    %mul3A_37 = arith.constant -1.95152956E-4 : f32
    %mul3A_38 = vector.broadcast %mul3A_37 : f32 to vector<256x256xf32>
    %mul3A_39 = arith.mulf %mul3A_36, %mul3A_38 : vector<256x256xf32>
    %add3A_40 = arith.constant 0.00833216123 : f32
    %add3A_41 = vector.broadcast %add3A_40 : f32 to vector<256x256xf32>
    %add3A_42 = arith.addf %add3A_41, %mul3A_39 : vector<256x256xf32>
    %mul3A_43 = arith.mulf %mul3A_36, %add3A_42 : vector<256x256xf32>
    %add3A_44 = arith.constant -0.166666552 : f32
    %add3A_45 = vector.broadcast %add3A_44 : f32 to vector<256x256xf32>
    %add3A_46 = arith.addf %add3A_45, %mul3A_43 : vector<256x256xf32>
    %mul3A_47 = arith.mulf %mul3A_36, %add3A_46 : vector<256x256xf32>
    %mul3A_48 = arith.mulf %sub3A_35, %mul3A_47 : vector<256x256xf32>
    %add3A_49 = arith.addf %sub3A_35, %mul3A_48 : vector<256x256xf32>
    %mul3A_50 = arith.constant 2.44331568E-5 : f32
    %mul3A_51 = vector.broadcast %mul3A_50 : f32 to vector<256x256xf32>
    %mul3A_52 = arith.mulf %mul3A_36, %mul3A_51 : vector<256x256xf32>
    %add3A_53 = arith.constant -0.00138873165 : f32
    %add3A_54 = vector.broadcast %add3A_53 : f32 to vector<256x256xf32>
    %add3A_55 = arith.addf %add3A_54, %mul3A_52 : vector<256x256xf32>
    %mul3A_56 = arith.mulf %mul3A_36, %add3A_55 : vector<256x256xf32>
    %add3A_57 = arith.constant 0.0416666418 : f32
    %add3A_58 = vector.broadcast %add3A_57 : f32 to vector<256x256xf32>
    %add3A_59 = arith.addf %add3A_58, %mul3A_56 : vector<256x256xf32>
    %mul3A_60 = arith.mulf %mul3A_36, %add3A_59 : vector<256x256xf32>
    %add3A_61 = arith.constant -5.000000e-01 : f32
    %add3A_62 = vector.broadcast %add3A_61 : f32 to vector<256x256xf32>
    %add3A_63 = arith.addf %add3A_62, %mul3A_60 : vector<256x256xf32>
    %mul3A_64 = arith.mulf %mul3A_36, %add3A_63 : vector<256x256xf32>
    %add3A_65 = arith.constant 1.000000e+00 : f32
    %add3A_66 = vector.broadcast %add3A_65 : f32 to vector<256x256xf32>
    %add3A_67 = arith.addf %add3A_66, %mul3A_64 : vector<256x256xf32>
    %and3A = arith.constant 1 : i32
    %and3A_68 = vector.broadcast %and3A : i32 to vector<256x256xi32>
    %and3A_69 = arith.andi %sub3A_23, %and3A_68 : vector<256x256xi32>
    %eq3A = arith.constant 1 : i32
    %eq3A_70 = vector.broadcast %eq3A : i32 to vector<256x256xi32>
    %eq3A_71 = arith.cmpi eq, %and3A_69, %eq3A_70 : vector<256x256xi32>
    %select_n3A = arith.select %eq3A_71, %add3A_67, %add3A_49 : vector<256x256xi1>, vector<256x256xf32>
    %and3A_72 = arith.constant 2 : i32
    %and3A_73 = vector.broadcast %and3A_72 : i32 to vector<256x256xi32>
    %and3A_74 = arith.andi %sub3A_23, %and3A_73 : vector<256x256xi32>
    %eq3A_75 = arith.constant 2 : i32
    %eq3A_76 = vector.broadcast %eq3A_75 : i32 to vector<256x256xi32>
    %eq3A_77 = arith.cmpi eq, %and3A_74, %eq3A_76 : vector<256x256xi32>
    %neg3A = arith.constant 0.000000e+00 : f32
    %neg3A_78 = vector.broadcast %neg3A : f32 to vector<256x256xf32>
    %neg3A_79 = arith.subf %neg3A_78, %select_n3A : vector<256x256xf32>
    %select_n3A_80 = arith.select %eq3A_77, %neg3A_79, %select_n3A : vector<256x256xi1>, vector<256x256xf32>
    %get3A_81 = arith.constant 0 : index
    %get3A_82 = arith.constant 0 : index
    %get3A_83 = arith.constant 0 : index
    %get3A_84 = vector.load %arg5[%get3A_81, %get3A_82, %get3A_83] : memref<1x256x256xbf16, #tpu.memory_space<vmem>>, vector<1x256x256xbf16>
    %get3A_85 = vector.shape_cast %get3A_84 : vector<1x256x256xbf16> to vector<256x256xbf16>
    %dot_general3A_86 = arith.constant dense<0.000000e+00> : vector<256x256xf32>
    %dot_general3A_87 = tpu.matmul %select_n3A_80, %get3A_85, %dot_general3A_86 {dimension_numbers = #tpu.dot_dimension_numbers<[1], [0], [0], [1], [0, 0, 1, 1], [], []>, transpose_lhs_hint = false} : vector<256x256xf32>, vector<256x256xbf16>, vector<256x256xf32> -> vector<256x256xf32>
    %get3A_88 = arith.constant 0 : index
    %get3A_89 = arith.constant 0 : index
    %get3A_90 = arith.constant 0 : index
    %get3A_91 = vector.load %arg6[%get3A_88, %get3A_89, %get3A_90] : memref<1x1x256xf32, #tpu.memory_space<vmem>>, vector<1x1x256xf32>
    %get3A_92 = vector.shape_cast %get3A_91 : vector<1x1x256xf32> to vector<1x256xf32>
    %add3A_93 = vector.broadcast %get3A_92 : vector<1x256xf32> to vector<256x256xf32>
    %add3A_94 = arith.addf %dot_general3A_87, %add3A_93 : vector<256x256xf32>
    %mul3A_95 = arith.constant 3.000000e+01 : f32
    %mul3A_96 = vector.broadcast %mul3A_95 : f32 to vector<256x256xf32>
    %mul3A_97 = arith.mulf %mul3A_96, %add3A_94 : vector<256x256xf32>
    %mul3A_98 = arith.constant 0.636619746 : f32
    %mul3A_99 = vector.broadcast %mul3A_98 : f32 to vector<256x256xf32>
    %mul3A_100 = arith.mulf %mul3A_97, %mul3A_99 : vector<256x256xf32>
    %add3A_101 = arith.constant 0x4B400000 : f32
    %add3A_102 = vector.broadcast %add3A_101 : f32 to vector<256x256xf32>
    %add3A_103 = arith.addf %mul3A_100, %add3A_102 : vector<256x256xf32>
    %bitcast_convert_type3A_104 = tpu.bitcast %add3A_103 : vector<256x256xf32> -> vector<256x256xi32>
    %sub3A_105 = arith.constant 1262485504 : i32
    %sub3A_106 = vector.broadcast %sub3A_105 : i32 to vector<256x256xi32>
    %sub3A_107 = arith.subi %bitcast_convert_type3A_104, %sub3A_106 : vector<256x256xi32>
    %convert_element_type3A_108 = arith.sitofp %sub3A_107 : vector<256x256xi32> to vector<256x256xf32>
    %mul3A_109 = arith.constant 1.5703125 : f32
    %mul3A_110 = vector.broadcast %mul3A_109 : f32 to vector<256x256xf32>
    %mul3A_111 = arith.mulf %convert_element_type3A_108, %mul3A_110 : vector<256x256xf32>
    %sub3A_112 = arith.subf %mul3A_97, %mul3A_111 : vector<256x256xf32>
    %mul3A_113 = arith.constant 4.83825803E-4 : f32
    %mul3A_114 = vector.broadcast %mul3A_113 : f32 to vector<256x256xf32>
    %mul3A_115 = arith.mulf %convert_element_type3A_108, %mul3A_114 : vector<256x256xf32>
    %sub3A_116 = arith.subf %sub3A_112, %mul3A_115 : vector<256x256xf32>
    %mul3A_117 = arith.constant 9.92093518E-10 : f32
    %mul3A_118 = vector.broadcast %mul3A_117 : f32 to vector<256x256xf32>
    %mul3A_119 = arith.mulf %convert_element_type3A_108, %mul3A_118 : vector<256x256xf32>
    %sub3A_120 = arith.subf %sub3A_116, %mul3A_119 : vector<256x256xf32>
    %mul3A_121 = arith.mulf %sub3A_120, %sub3A_120 : vector<256x256xf32>
    %mul3A_122 = arith.constant -1.95152956E-4 : f32
    %mul3A_123 = vector.broadcast %mul3A_122 : f32 to vector<256x256xf32>
    %mul3A_124 = arith.mulf %mul3A_121, %mul3A_123 : vector<256x256xf32>
    %add3A_125 = arith.constant 0.00833216123 : f32
    %add3A_126 = vector.broadcast %add3A_125 : f32 to vector<256x256xf32>
    %add3A_127 = arith.addf %add3A_126, %mul3A_124 : vector<256x256xf32>
    %mul3A_128 = arith.mulf %mul3A_121, %add3A_127 : vector<256x256xf32>
    %add3A_129 = arith.constant -0.166666552 : f32
    %add3A_130 = vector.broadcast %add3A_129 : f32 to vector<256x256xf32>
    %add3A_131 = arith.addf %add3A_130, %mul3A_128 : vector<256x256xf32>
    %mul3A_132 = arith.mulf %mul3A_121, %add3A_131 : vector<256x256xf32>
    %mul3A_133 = arith.mulf %sub3A_120, %mul3A_132 : vector<256x256xf32>
    %add3A_134 = arith.addf %sub3A_120, %mul3A_133 : vector<256x256xf32>
    %mul3A_135 = arith.constant 2.44331568E-5 : f32
    %mul3A_136 = vector.broadcast %mul3A_135 : f32 to vector<256x256xf32>
    %mul3A_137 = arith.mulf %mul3A_121, %mul3A_136 : vector<256x256xf32>
    %add3A_138 = arith.constant -0.00138873165 : f32
    %add3A_139 = vector.broadcast %add3A_138 : f32 to vector<256x256xf32>
    %add3A_140 = arith.addf %add3A_139, %mul3A_137 : vector<256x256xf32>
    %mul3A_141 = arith.mulf %mul3A_121, %add3A_140 : vector<256x256xf32>
    %add3A_142 = arith.constant 0.0416666418 : f32
    %add3A_143 = vector.broadcast %add3A_142 : f32 to vector<256x256xf32>
    %add3A_144 = arith.addf %add3A_143, %mul3A_141 : vector<256x256xf32>
    %mul3A_145 = arith.mulf %mul3A_121, %add3A_144 : vector<256x256xf32>
    %add3A_146 = arith.constant -5.000000e-01 : f32
    %add3A_147 = vector.broadcast %add3A_146 : f32 to vector<256x256xf32>
    %add3A_148 = arith.addf %add3A_147, %mul3A_145 : vector<256x256xf32>
    %mul3A_149 = arith.mulf %mul3A_121, %add3A_148 : vector<256x256xf32>
    %add3A_150 = arith.constant 1.000000e+00 : f32
    %add3A_151 = vector.broadcast %add3A_150 : f32 to vector<256x256xf32>
    %add3A_152 = arith.addf %add3A_151, %mul3A_149 : vector<256x256xf32>
    %and3A_153 = arith.constant 1 : i32
    %and3A_154 = vector.broadcast %and3A_153 : i32 to vector<256x256xi32>
    %and3A_155 = arith.andi %sub3A_107, %and3A_154 : vector<256x256xi32>
    %eq3A_156 = arith.constant 1 : i32
    %eq3A_157 = vector.broadcast %eq3A_156 : i32 to vector<256x256xi32>
    %eq3A_158 = arith.cmpi eq, %and3A_155, %eq3A_157 : vector<256x256xi32>
    %select_n3A_159 = arith.select %eq3A_158, %add3A_152, %add3A_134 : vector<256x256xi1>, vector<256x256xf32>
    %and3A_160 = arith.constant 2 : i32
    %and3A_161 = vector.broadcast %and3A_160 : i32 to vector<256x256xi32>
    %and3A_162 = arith.andi %sub3A_107, %and3A_161 : vector<256x256xi32>
    %eq3A_163 = arith.constant 2 : i32
    %eq3A_164 = vector.broadcast %eq3A_163 : i32 to vector<256x256xi32>
    %eq3A_165 = arith.cmpi eq, %and3A_162, %eq3A_164 : vector<256x256xi32>
    %neg3A_166 = arith.constant 0.000000e+00 : f32
    %neg3A_167 = vector.broadcast %neg3A_166 : f32 to vector<256x256xf32>
    %neg3A_168 = arith.subf %neg3A_167, %select_n3A_159 : vector<256x256xf32>
    %select_n3A_169 = arith.select %eq3A_165, %neg3A_168, %select_n3A_159 : vector<256x256xi1>, vector<256x256xf32>
    %get3A_170 = arith.constant 0 : index
    %get3A_171 = arith.constant 0 : index
    %get3A_172 = arith.constant 0 : index
    %get3A_173 = vector.load %arg7[%get3A_170, %get3A_171, %get3A_172] : memref<1x256x256xbf16, #tpu.memory_space<vmem>>, vector<1x256x256xbf16>
    %get3A_174 = vector.shape_cast %get3A_173 : vector<1x256x256xbf16> to vector<256x256xbf16>
    %dot_general3A_175 = arith.constant dense<0.000000e+00> : vector<256x256xf32>
    %dot_general3A_176 = tpu.matmul %select_n3A_169, %get3A_174, %dot_general3A_175 {dimension_numbers = #tpu.dot_dimension_numbers<[1], [0], [0], [1], [0, 0, 1, 1], [], []>, transpose_lhs_hint = false} : vector<256x256xf32>, vector<256x256xbf16>, vector<256x256xf32> -> vector<256x256xf32>
    %get3A_177 = arith.constant 0 : index
    %get3A_178 = arith.constant 0 : index
    %get3A_179 = arith.constant 0 : index
    %get3A_180 = vector.load %arg8[%get3A_177, %get3A_178, %get3A_179] : memref<1x1x256xf32, #tpu.memory_space<vmem>>, vector<1x1x256xf32>
    %get3A_181 = vector.shape_cast %get3A_180 : vector<1x1x256xf32> to vector<1x256xf32>
    %add3A_182 = vector.broadcast %get3A_181 : vector<1x256xf32> to vector<256x256xf32>
    %add3A_183 = arith.addf %dot_general3A_176, %add3A_182 : vector<256x256xf32>
    %mul3A_184 = arith.constant 3.000000e+01 : f32
    %mul3A_185 = vector.broadcast %mul3A_184 : f32 to vector<256x256xf32>
    %mul3A_186 = arith.mulf %mul3A_185, %add3A_183 : vector<256x256xf32>
    %mul3A_187 = arith.constant 0.636619746 : f32
    %mul3A_188 = vector.broadcast %mul3A_187 : f32 to vector<256x256xf32>
    %mul3A_189 = arith.mulf %mul3A_186, %mul3A_188 : vector<256x256xf32>
    %add3A_190 = arith.constant 0x4B400000 : f32
    %add3A_191 = vector.broadcast %add3A_190 : f32 to vector<256x256xf32>
    %add3A_192 = arith.addf %mul3A_189, %add3A_191 : vector<256x256xf32>
    %bitcast_convert_type3A_193 = tpu.bitcast %add3A_192 : vector<256x256xf32> -> vector<256x256xi32>
    %sub3A_194 = arith.constant 1262485504 : i32
    %sub3A_195 = vector.broadcast %sub3A_194 : i32 to vector<256x256xi32>
    %sub3A_196 = arith.subi %bitcast_convert_type3A_193, %sub3A_195 : vector<256x256xi32>
    %convert_element_type3A_197 = arith.sitofp %sub3A_196 : vector<256x256xi32> to vector<256x256xf32>
    %mul3A_198 = arith.constant 1.5703125 : f32
    %mul3A_199 = vector.broadcast %mul3A_198 : f32 to vector<256x256xf32>
    %mul3A_200 = arith.mulf %convert_element_type3A_197, %mul3A_199 : vector<256x256xf32>
    %sub3A_201 = arith.subf %mul3A_186, %mul3A_200 : vector<256x256xf32>
    %mul3A_202 = arith.constant 4.83825803E-4 : f32
    %mul3A_203 = vector.broadcast %mul3A_202 : f32 to vector<256x256xf32>
    %mul3A_204 = arith.mulf %convert_element_type3A_197, %mul3A_203 : vector<256x256xf32>
    %sub3A_205 = arith.subf %sub3A_201, %mul3A_204 : vector<256x256xf32>
    %mul3A_206 = arith.constant 9.92093518E-10 : f32
    %mul3A_207 = vector.broadcast %mul3A_206 : f32 to vector<256x256xf32>
    %mul3A_208 = arith.mulf %convert_element_type3A_197, %mul3A_207 : vector<256x256xf32>
    %sub3A_209 = arith.subf %sub3A_205, %mul3A_208 : vector<256x256xf32>
    %mul3A_210 = arith.mulf %sub3A_209, %sub3A_209 : vector<256x256xf32>
    %mul3A_211 = arith.constant -1.95152956E-4 : f32
    %mul3A_212 = vector.broadcast %mul3A_211 : f32 to vector<256x256xf32>
    %mul3A_213 = arith.mulf %mul3A_210, %mul3A_212 : vector<256x256xf32>
    %add3A_214 = arith.constant 0.00833216123 : f32
    %add3A_215 = vector.broadcast %add3A_214 : f32 to vector<256x256xf32>
    %add3A_216 = arith.addf %add3A_215, %mul3A_213 : vector<256x256xf32>
    %mul3A_217 = arith.mulf %mul3A_210, %add3A_216 : vector<256x256xf32>
    %add3A_218 = arith.constant -0.166666552 : f32
    %add3A_219 = vector.broadcast %add3A_218 : f32 to vector<256x256xf32>
    %add3A_220 = arith.addf %add3A_219, %mul3A_217 : vector<256x256xf32>
    %mul3A_221 = arith.mulf %mul3A_210, %add3A_220 : vector<256x256xf32>
    %mul3A_222 = arith.mulf %sub3A_209, %mul3A_221 : vector<256x256xf32>
    %add3A_223 = arith.addf %sub3A_209, %mul3A_222 : vector<256x256xf32>
    %mul3A_224 = arith.constant 2.44331568E-5 : f32
    %mul3A_225 = vector.broadcast %mul3A_224 : f32 to vector<256x256xf32>
    %mul3A_226 = arith.mulf %mul3A_210, %mul3A_225 : vector<256x256xf32>
    %add3A_227 = arith.constant -0.00138873165 : f32
    %add3A_228 = vector.broadcast %add3A_227 : f32 to vector<256x256xf32>
    %add3A_229 = arith.addf %add3A_228, %mul3A_226 : vector<256x256xf32>
    %mul3A_230 = arith.mulf %mul3A_210, %add3A_229 : vector<256x256xf32>
    %add3A_231 = arith.constant 0.0416666418 : f32
    %add3A_232 = vector.broadcast %add3A_231 : f32 to vector<256x256xf32>
    %add3A_233 = arith.addf %add3A_232, %mul3A_230 : vector<256x256xf32>
    %mul3A_234 = arith.mulf %mul3A_210, %add3A_233 : vector<256x256xf32>
    %add3A_235 = arith.constant -5.000000e-01 : f32
    %add3A_236 = vector.broadcast %add3A_235 : f32 to vector<256x256xf32>
    %add3A_237 = arith.addf %add3A_236, %mul3A_234 : vector<256x256xf32>
    %mul3A_238 = arith.mulf %mul3A_210, %add3A_237 : vector<256x256xf32>
    %add3A_239 = arith.constant 1.000000e+00 : f32
    %add3A_240 = vector.broadcast %add3A_239 : f32 to vector<256x256xf32>
    %add3A_241 = arith.addf %add3A_240, %mul3A_238 : vector<256x256xf32>
    %and3A_242 = arith.constant 1 : i32
    %and3A_243 = vector.broadcast %and3A_242 : i32 to vector<256x256xi32>
    %and3A_244 = arith.andi %sub3A_196, %and3A_243 : vector<256x256xi32>
    %eq3A_245 = arith.constant 1 : i32
    %eq3A_246 = vector.broadcast %eq3A_245 : i32 to vector<256x256xi32>
    %eq3A_247 = arith.cmpi eq, %and3A_244, %eq3A_246 : vector<256x256xi32>
    %select_n3A_248 = arith.select %eq3A_247, %add3A_241, %add3A_223 : vector<256x256xi1>, vector<256x256xf32>
    %and3A_249 = arith.constant 2 : i32
    %and3A_250 = vector.broadcast %and3A_249 : i32 to vector<256x256xi32>
    %and3A_251 = arith.andi %sub3A_196, %and3A_250 : vector<256x256xi32>
    %eq3A_252 = arith.constant 2 : i32
    %eq3A_253 = vector.broadcast %eq3A_252 : i32 to vector<256x256xi32>
    %eq3A_254 = arith.cmpi eq, %and3A_251, %eq3A_253 : vector<256x256xi32>
    %neg3A_255 = arith.constant 0.000000e+00 : f32
    %neg3A_256 = vector.broadcast %neg3A_255 : f32 to vector<256x256xf32>
    %neg3A_257 = arith.subf %neg3A_256, %select_n3A_248 : vector<256x256xf32>
    %select_n3A_258 = arith.select %eq3A_254, %neg3A_257, %select_n3A_248 : vector<256x256xi1>, vector<256x256xf32>
    %get3A_259 = arith.constant 0 : index
    %get3A_260 = arith.constant 0 : index
    %get3A_261 = arith.constant 0 : index
    %get3A_262 = vector.load %arg9[%get3A_259, %get3A_260, %get3A_261] : memref<1x256x1xbf16, #tpu.memory_space<vmem>>, vector<1x256x1xbf16>
    %get3A_263 = vector.shape_cast %get3A_262 : vector<1x256x1xbf16> to vector<256x1xbf16>
    %dot_general3A_264 = arith.constant dense<0.000000e+00> : vector<256x1xf32>
    %dot_general3A_265 = tpu.matmul %select_n3A_258, %get3A_263, %dot_general3A_264 {dimension_numbers = #tpu.dot_dimension_numbers<[1], [0], [0], [1], [0, 0, 1, 1], [], []>, transpose_lhs_hint = false} : vector<256x256xf32>, vector<256x1xbf16>, vector<256x1xf32> -> vector<256x1xf32>
    %get3A_266 = arith.constant 0 : index
    %get3A_267 = arith.constant 0 : index
    %get3A_268 = arith.constant 0 : index
    %get3A_269 = vector.load %arg10[%get3A_266, %get3A_267, %get3A_268] : memref<1x1x128xf32, #tpu.memory_space<vmem>>, vector<1x1x128xf32>
    %get3A_270 = vector.shape_cast %get3A_269 : vector<1x1x128xf32> to vector<1x128xf32>
    %slice3A = vector.extract_strided_slice %get3A_270 {offsets = [0, 0], sizes = [1, 1], strides = [1, 1]} : vector<1x128xf32> to vector<1x1xf32>
    %add3A_271 = vector.broadcast %slice3A : vector<1x1xf32> to vector<256x1xf32>
    %add3A_272 = arith.addf %dot_general3A_265, %add3A_271 : vector<256x1xf32>
    %swap3A = arith.constant 0 : index
    %swap3A_273 = arith.constant 0 : index
    %swap3A_274 = vector.load %arg11[%swap3A, %swap3A_273] : memref<256x1xf32, #tpu.memory_space<vmem>>, vector<256x1xf32>
    tpu.vector_store %arg11[%swap3A, %swap3A_273], %add3A_272 {strides = array<i32>} : memref<256x1xf32, #tpu.memory_space<vmem>>, vector<256x1xf32>,
    return
  }
  func.func @transform_0(%arg0: i32, %arg1: memref<136xi32, #tpu.memory_space<smem>>) -> (i32, i32) {
    %c0_i32 = arith.constant 0 : i32
    %c0_i32_0 = arith.constant 0 : i32
    return %arg0, %c0_i32 : i32, i32
  }
  func.func @transform_1(%arg0: i32, %arg1: memref<136xi32, #tpu.memory_space<smem>>) -> (i32, i32, i32) {
    %get3A = arith.index_cast %arg0 : i32 to index
    %get3A_0 = memref.load %arg1[%get3A] : memref<136xi32, #tpu.memory_space<smem>>
    %c0_i32 = arith.constant 0 : i32
    %c0_i32_1 = arith.constant 0 : i32
    %c0_i32_2 = arith.constant 0 : i32
    return %get3A_0, %c0_i32, %c0_i32_1 : i32, i32, i32
  }
  func.func @transform_2(%arg0: i32, %arg1: memref<136xi32, #tpu.memory_space<smem>>) -> (i32, i32, i32) {
    %get3A = arith.index_cast %arg0 : i32 to index
    %get3A_0 = memref.load %arg1[%get3A] : memref<136xi32, #tpu.memory_space<smem>>
    %c0_i32 = arith.constant 0 : i32
    %c0_i32_1 = arith.constant 0 : i32
    %c0_i32_2 = arith.constant 0 : i32
    return %get3A_0, %c0_i32, %c0_i32_1 : i32, i32, i32
  }
  func.func @transform_3(%arg0: i32, %arg1: memref<136xi32, #tpu.memory_space<smem>>) -> (i32, i32, i32) {
    %get3A = arith.index_cast %arg0 : i32 to index
    %get3A_0 = memref.load %arg1[%get3A] : memref<136xi32, #tpu.memory_space<smem>>
    %c0_i32 = arith.constant 0 : i32
    %c0_i32_1 = arith.constant 0 : i32
    %c0_i32_2 = arith.constant 0 : i32
    return %get3A_0, %c0_i32, %c0_i32_1 : i32, i32, i32
  }
  func.func @transform_4(%arg0: i32, %arg1: memref<136xi32, #tpu.memory_space<smem>>) -> (i32, i32, i32) {
    %get3A = arith.index_cast %arg0 : i32 to index
    %get3A_0 = memref.load %arg1[%get3A] : memref<136xi32, #tpu.memory_space<smem>>
    %c0_i32 = arith.constant 0 : i32
    %c0_i32_1 = arith.constant 0 : i32
    %c0_i32_2 = arith.constant 0 : i32
    return %get3A_0, %c0_i32, %c0_i32_1 : i32, i32, i32
  }
  func.func @transform_5(%arg0: i32, %arg1: memref<136xi32, #tpu.memory_space<smem>>) -> (i32, i32, i32) {
    %get3A = arith.index_cast %arg0 : i32 to index
    %get3A_0 = memref.load %arg1[%get3A] : memref<136xi32, #tpu.memory_space<smem>>
    %c0_i32 = arith.constant 0 : i32
    %c0_i32_1 = arith.constant 0 : i32
    %c0_i32_2 = arith.constant 0 : i32
    return %get3A_0, %c0_i32, %c0_i32_1 : i32, i32, i32
  }
  func.func @transform_6(%arg0: i32, %arg1: memref<136xi32, #tpu.memory_space<smem>>) -> (i32, i32, i32) {
    %get3A = arith.index_cast %arg0 : i32 to index
    %get3A_0 = memref.load %arg1[%get3A] : memref<136xi32, #tpu.memory_space<smem>>
    %c0_i32 = arith.constant 0 : i32
    %c0_i32_1 = arith.constant 0 : i32
    %c0_i32_2 = arith.constant 0 : i32
    return %get3A_0, %c0_i32, %c0_i32_1 : i32, i32, i32
  }
  func.func @transform_7(%arg0: i32, %arg1: memref<136xi32, #tpu.memory_space<smem>>) -> (i32, i32, i32) {
    %get3A = arith.index_cast %arg0 : i32 to index
    %get3A_0 = memref.load %arg1[%get3A] : memref<136xi32, #tpu.memory_space<smem>>
    %c0_i32 = arith.constant 0 : i32
    %c0_i32_1 = arith.constant 0 : i32
    %c0_i32_2 = arith.constant 0 : i32
    return %get3A_0, %c0_i32, %c0_i32_1 : i32, i32, i32
  }
  func.func @transform_8(%arg0: i32, %arg1: memref<136xi32, #tpu.memory_space<smem>>) -> (i32, i32, i32) {
    %get3A = arith.index_cast %arg0 : i32 to index
    %get3A_0 = memref.load %arg1[%get3A] : memref<136xi32, #tpu.memory_space<smem>>
    %c0_i32 = arith.constant 0 : i32
    %c0_i32_1 = arith.constant 0 : i32
    %c0_i32_2 = arith.constant 0 : i32
    return %get3A_0, %c0_i32, %c0_i32_1 : i32, i32, i32
  }
  func.func @transform_9(%arg0: i32, %arg1: memref<136xi32, #tpu.memory_space<smem>>) -> (i32, i32) {
    %c0_i32 = arith.constant 0 : i32
    %c0_i32_0 = arith.constant 0 : i32
    return %arg0, %c0_i32 : i32, i32
  }
}

module attributes {stable_mosaic.version = 14 : i64} {
  func.func @_combine_kernel(%arg0: i32, %arg1: memref<512x2xf32, #tpu.memory_space<vmem>>, %arg2: memref<512x1xf32, #tpu.memory_space<vmem>>, %arg3: memref<512x1xf32, #tpu.memory_space<vmem>>, %arg4: memref<512x1xf32, #tpu.memory_space<vmem>>) attributes {dimension_semantics = [#tpu.dimension_semantics<arbitrary>], iteration_bounds = array<i64: 32>, scalar_prefetch = 0 : i64, scratch_operands = 0 : i64, tpu.core_type = #tpu.core_type<tc>, window_params = [{transform_indices = @transform_0, window_bounds = array<i64: 512, 2>}, {transform_indices = @transform_1, window_bounds = array<i64: 512, 1>}, {transform_indices = @transform_2, window_bounds = array<i64: 512, 1>}, {transform_indices = @transform_3, window_bounds = array<i64: 512, 1>}]} {
    %get3A = arith.constant 0 : index
    %get3A_0 = arith.constant 0 : index
    %get3A_1 = vector.load %arg1[%get3A, %get3A_0] : memref<512x2xf32, #tpu.memory_space<vmem>>, vector<512x2xf32>
    %slice3A = vector.extract_strided_slice %get3A_1 {offsets = [0, 0], sizes = [512, 1], strides = [1, 1]} : vector<512x2xf32> to vector<512x1xf32>
    %get3A_2 = arith.constant 0 : index
    %get3A_3 = arith.constant 0 : index
    %get3A_4 = vector.load %arg2[%get3A_2, %get3A_3] : memref<512x1xf32, #tpu.memory_space<vmem>>, vector<512x1xf32>
    %mul3A = arith.mulf %slice3A, %get3A_4 : vector<512x1xf32>
    %slice3A_5 = vector.extract_strided_slice %get3A_1 {offsets = [0, 1], sizes = [512, 1], strides = [1, 1]} : vector<512x2xf32> to vector<512x1xf32>
    %get3A_6 = arith.constant 0 : index
    %get3A_7 = arith.constant 0 : index
    %get3A_8 = vector.load %arg3[%get3A_6, %get3A_7] : memref<512x1xf32, #tpu.memory_space<vmem>>, vector<512x1xf32>
    %mul3A_9 = arith.mulf %slice3A_5, %get3A_8 : vector<512x1xf32>
    %add3A = arith.addf %mul3A, %mul3A_9 : vector<512x1xf32>
    %swap3A = arith.constant 0 : index
    %swap3A_10 = arith.constant 0 : index
    %swap3A_11 = vector.load %arg4[%swap3A, %swap3A_10] : memref<512x1xf32, #tpu.memory_space<vmem>>, vector<512x1xf32>
    tpu.vector_store %arg4[%swap3A, %swap3A_10], %add3A {strides = array<i32>} : memref<512x1xf32, #tpu.memory_space<vmem>>, vector<512x1xf32>,
    return
  }
  func.func @transform_0(%arg0: i32) -> (i32, i32) {
    %c0_i32 = arith.constant 0 : i32
    %c0_i32_0 = arith.constant 0 : i32
    return %arg0, %c0_i32 : i32, i32
  }
  func.func @transform_1(%arg0: i32) -> (i32, i32) {
    %c0_i32 = arith.constant 0 : i32
    %c0_i32_0 = arith.constant 0 : i32
    return %arg0, %c0_i32 : i32, i32
  }
  func.func @transform_2(%arg0: i32) -> (i32, i32) {
    %c0_i32 = arith.constant 0 : i32
    %c0_i32_0 = arith.constant 0 : i32
    return %arg0, %c0_i32 : i32, i32
  }
  func.func @transform_3(%arg0: i32) -> (i32, i32) {
    %c0_i32 = arith.constant 0 : i32
    %c0_i32_0 = arith.constant 0 : i32
    return %arg0, %c0_i32 : i32, i32
  }
}

</mosaic_0001>

<sc_bundles>
// kernel: gather_offload_async_start.1
scs
__scs_entry_jumppad:
0x0: {  	(pc) =	sbr.rel $0x88, $3  }
0x1: {  	(tag) =	ssettag $0x0;
	lr =	simm.s32 $0x1  }
0x2: {  	[smem:$0x3F8C] =	sst lr;
	_ =	strace $0xD0000000  }
0x3: {  	_ = 	snop  }
0x4: {  	_ = 	snop  }
0x5: {  	_ = 	snop  }
0x6: {  	_ = 	snop  }
0x7: {  	_ = 	snop  }
__scs_overlays_trampoline_lowered:
0x8: {  	[smem:$0x3F9B] =	sst s0  }
0x9: {  	[smem:$0x3F9C] =	sst s1  }
0xa: {  	[smem:$0x3F9D] =	sst s2  }
0xb: {  	[smem:$0x3F9E] =	sst s3  }
0xc: {  	[smem:$0x3F9F] =	sst s4  }
0xd: {  	[smem:$0x3FA0] =	sst s5  }
0xe: {  	[smem:$0x3FA1] =	sst s6  }
0xf: {  	[smem:$0x3FA2] =	sst s7  }
0x10: {  	[smem:$0x3FA3] =	sst s8  }
0x11: {  	[smem:$0x3FA4] =	sst s9;
	s0 =	simm.s32 @!p0 $0x0  }
0x12: {  	s1 =	sld [smem:$0x3F8A];
	s0 =	simm.s32 @p0 $0x1  }
0x13: {  	[smem:$0x3FA5] =	sst s0;
	s0 =	simm.s32 @!p1 $0x0  }
0x14: {  	s2 =	sld [smem:$0x3F89];
	s0 =	simm.s32 @p1 $0x1  }
0x15: {  	[smem:$0x3FA6] =	sst s0;
	s0 =	simm.s32 @!p2 $0x0  }
0x16: {  	s3 =	sld [smem:$0x3FDB];
	s0 =	simm.s32 @p2 $0x1  }
0x17: {  	s4 =	simm.s32 $0x1BF5;
	[smem:$0x3FA8] =	sst s0  }
0x18: {  	s0 =	sld [smem:$0x3F8B];
	_ =	swait.ge [sflag:s4], $0x0  }
0x19: {  	s7 =	sld [smem:$0x3F8C]  }
0x1a: {  	s8 =	sadd.s32 $0xFFFFE003, lr  }
0x1b: {  	s9 =	sadd.s32 $0xFFFFFEF7, lr;
	s5 =	simm.s32 $0xFFFFFFFF;
	p2 =	slt.u32 s8, $0xFFFFF086  }
0x1c: {  	p1 =	slt.u32 s9, $0xF7A;
	s5 =	simm.s32 @!p2 $0x0  }
0x1d: {  	s5 =	simm.s32 @p1 $0x1;
	p0 =	seq.s32 s7, s2  }
0x1e: {  	s7 =	smul.u32 @!p0 $0xF7A, s2;
	p2 =	seq.s32 @!p0 s5, $0x0  }
0x1f: {  	s9 =	smul.u32 $0xF7A, s1;
	s8 =	simm.s32 @!p0 $0x1BF5;
	p2 =	por !p2, p0  }
0x20: {  	[sflag:s8] =	ssyncset.s32 @!p0 $0xFFFFF086;
	s6 =	sadd.s32 @!p0 s3, s7;
	s7 =	simm.s32 @!p0 $0x108  }
0x21: {  	s3 =	sadd.s32 s3, s9;
	s6 =	sadd.s32 @!p0 $0x88, s6;
	s7 =	simm.s32 @p2 $0x1082  }
0x22: {  	[simem:s7], [sflag:s8] =	dma.local @!p0 [hbm:s6], $0xF7A  }
0x23: {  	s9 =	sor.u32 $0xD0000000, s2;
	s6 =	simm.s32 $0x108;
	_ =	swait.ge @!p0 [sflag:s8], $0x0  }
0x24: {  	s3 =	sadd.s32 $0x88, s3;
	s6 =	simm.s32 @!p1 $0x1082;
	[sflag:s4] =	ssyncset.s32 $0xFFFFF086  }
0x25: {  	[simem:s6], [sflag:s4] =	dma.local [hbm:s3], $0xF7A  }
0x26: {  	[smem:$0x3F8C] =	sst s1;
	(tag) =	ssettag s2;
	_ =	strace s9  }
0x27: {  	s1 =	sld [smem:$0x3F9C]  }
0x28: {  	s2 =	sld [smem:$0x3F9D]  }
0x29: {  	s4 =	sld [smem:$0x3F9F]  }
0x2a: {  	p0 =	seq.s32 s5, $0x0;
	s5 =	sld [smem:$0x3FA0]  }
0x2b: {  	s6 =	sld [smem:$0x3FA1]  }
0x2c: {  	s7 =	sld [smem:$0x3FA2]  }
0x2d: {  	s3 =	simm.s32 $0x108;
	s8 =	sld [smem:$0x3FA3]  }
0x2e: {  	s3 =	simm.s32 @!p0 $0x1082;
	s9 =	sld [smem:$0x3FA4]  }
0x2f: {  	lr =	sadd.s32 s0, s3;
	s0 =	sld [smem:$0x3F9B]  }
0x30: {  	s3 =	sld [smem:$0x3F9E]  }
0x31: {  	[smem:$0x3FA7] =	sst s10  }
0x32: {  	s10 =	sld [smem:$0x3FA5];
	_ =	sdelay $0x3  }
0x33: {  	p0 =	seq.s32 s10, $0x1;
	s10 =	sld [smem:$0x3FA7];
	_ =	sdelay $0x3  }
0x34: {  	[smem:$0x3FA7] =	sst s10  }
0x35: {  	s10 =	sld [smem:$0x3FA6];
	_ =	sdelay $0x3  }
0x36: {  	p1 =	seq.s32 s10, $0x1;
	s10 =	sld [smem:$0x3FA7];
	_ =	sdelay $0x3  }
0x37: {  	[smem:$0x3FA7] =	sst s10  }
0x38: {  	s10 =	sld [smem:$0x3FA8]  }
0x39: {  	_ = 	snop;
	(pc) =	sbr.ind lr, $3  }
0x3a: {  	_ = 	snop  }
0x3b: {  	_ = 	snop  }
0x3c: {  	p2 =	seq.s32 s10, $0x1;
	s10 =	sld [smem:$0x3FA7]  }
0x3d: {  	_ =	shalt  }
0x3e: {  	_ =	shalt  }
0x3f: {  	_ =	shalt  }
0x40: {  	_ =	shalt  }
0x41: {  	_ =	shalt  }
0x42: {  	_ =	shalt  }
0x43: {  	_ =	shalt  }
0x44: {  	_ =	shalt  }
0x45: {  	_ =	shalt  }
0x46: {  	_ =	shalt  }
0x47: {  	_ =	shalt  }
0x48: {  	_ =	shalt  }
0x49: {  	_ =	shalt  }
0x4a: {  	_ =	shalt  }
0x4b: {  	_ =	shalt  }
0x4c: {  	_ =	shalt  }
0x4d: {  	_ =	shalt  }
0x4e: {  	_ =	shalt  }
0x4f: {  	_ =	shalt  }
0x50: {  	_ =	shalt  }
0x51: {  	_ =	shalt  }
0x52: {  	_ =	shalt  }
0x53: {  	_ =	shalt  }
0x54: {  	_ =	shalt  }
0x55: {  	_ =	shalt  }
0x56: {  	_ =	shalt  }
0x57: {  	_ =	shalt  }
0x58: {  	_ =	shalt  }
0x59: {  	_ =	shalt  }
0x5a: {  	_ =	shalt  }
0x5b: {  	_ =	shalt  }
0x5c: {  	_ =	shalt  }
0x5d: {  	_ =	shalt  }
0x5e: {  	_ =	shalt  }
0x5f: {  	_ =	shalt  }
0x60: {  	_ =	shalt  }
0x61: {  	_ =	shalt  }
0x62: {  	_ =	shalt  }
0x63: {  	_ =	shalt  }
0x64: {  	_ =	shalt  }
0x65: {  	_ =	shalt  }
0x66: {  	_ =	shalt  }
0x67: {  	_ =	shalt  }
0x68: {  	_ =	shalt  }
0x69: {  	_ =	shalt  }
0x6a: {  	_ =	shalt  }
0x6b: {  	_ =	shalt  }
0x6c: {  	_ =	shalt  }
0x6d: {  	_ =	shalt  }
0x6e: {  	_ =	shalt  }
0x6f: {  	_ =	shalt  }
0x70: {  	_ =	shalt  }
0x71: {  	_ =	shalt  }
0x72: {  	_ =	shalt  }
0x73: {  	_ =	shalt  }
0x74: {  	_ =	shalt  }
0x75: {  	_ =	shalt  }
0x76: {  	_ =	shalt  }
0x77: {  	_ =	shalt  }
0x78: {  	_ =	shalt  }
0x79: {  	_ =	shalt  }
0x7a: {  	_ =	shalt  }
0x7b: {  	_ =	shalt  }
0x7c: {  	_ =	shalt  }
0x7d: {  	_ =	shalt  }
0x7e: {  	_ =	shalt  }
0x7f: {  	_ =	shalt  }
0x80: {  	_ =	shalt  }
0x81: {  	_ =	shalt  }
0x82: {  	_ =	shalt  }
0x83: {  	_ =	shalt  }
0x84: {  	_ =	shalt  }
0x85: {  	_ =	shalt  }
0x86: {  	_ =	shalt  }
0x87: {  	_ =	shalt  }
.Lfunc_end0:
.L_simem_size_0:
called_computation.1_lowered:
.L_overlay_start_0:
0x88: {  	s2 =	sld [smem:$0x3FD9]  }
0x89: {  	s3 =	sld [smem:$0x3FFE];
	_ =	sdelay $0x1  }
0x8a: {  	s1 =	srdreg.scid  }
0x8b: {  	s0 =	sand.u32 $0x1, s1  }
0x8c: {  	s17 =	sshll.u32 s0, $0xA;
	s2 =	sadd.s32 s3, s2  }
0x8d: {  	s2 =	sadd.s32 s2, s17  }
0x8e: {  	[smem:$0x3FB3] =	sst s2  }
0x8f: {  	_ = 	snop  }
0x90: {  	s2 =	sld [smem:$0x3FD0];
	(tm) =	ssettm $0x1  }
0x91: {  	s18 =	sld [smem:$0x3FFB];
	_ =	sdelay $0x3  }
0x92: {  	_ =	strace s18  }
0x93: {  	s3 =	sld [smem:$0x3FFC];
	_ =	sdelay $0x3  }
0x94: {  	_ =	strace s3  }
0x95: {  	s3 =	sld [smem:$0x3FFD];
	_ =	sdelay $0x3  }
0x96: {  	_ =	strace s3  }
0x97: {  	_ =	strace $0x8FFFFFFF  }
0x98: {  	s19 =	sld [smem:$0x3FDB];
	_ =	sdelay $0x1  }
0x99: {  	s4 =	simm.s32 $_scs_section_size  }
0x9a: {  	s5 =	simm.s32 $_size__tile_overlayer_lowered;
	s6 =	simm.s32 $_tile_overlayer_lowered  }
0x9b: {  	s22 =	simm.s32 $0x1BFF;
	s21 =	sshll.u32 s6, $0x1;
	s3 =	sadd.s32 s4, s19  }
0x9c: {  	s7 =	simm.s32 $0x0;
	s20 =	sshll.u32 s5, $0x1;
	s5 =	sadd.s32 s21, s3  }
0x9d: {  	[timem:s7], [sflag:s22] =	dma.local [hbm:s5], s20  }
0x9e: {  	_ =	swait.ge [sflag:s22], s20  }
0x9f: {  	s4 =	ssub.s32 $0x0, s20;
	[sflag:s22] =	ssyncset.done $0x0  }
0xa0: {  	[sflag:s22] =	ssyncadd.s32 s4;
	_ =	sdelay $0x1  }
0xa1: {  	s23 =	simm.s32 $0x1B8B  }
0xa2: {  	_ =	swait.ge [sflag:s23], $0x1  }
0xa3: {  	[sflag:s23] =	ssyncset.done $0x0  }
0xa4: {  	s25 =	simm.s32 $0x1B8E;
	s24 =	sld [smem:$0x3FFE];
	[sflag:s23] =	ssyncadd.s32 $0xFFFFFFFF  }
0xa5: {  	s26 =	simm.s32 $execute0_lowered;
	[smem:$0x3FD2] =	sst s25  }
0xa6: {  	s5 =	sshll.u32 s26, $0x1;
	_ =	strace $0x80000046;
	[dreg:$0x1] =	wrdreg $0xFFFFFFFF  }
0xa7: {  	s28 =	simm.s32 $_size_execute0_lowered;
	s3 =	sadd.s32 s3, s5;
	[dreg:$0x0] =	wrdreg $0x0  }
0xa8: {  	s5 =	sshll.u32 s28, $0x1;
	[dreg:$0x2] =	wrdreg s3  }
0xa9: {  	[dreg:$0x3] =	wrdreg s5  }
0xaa: {  	[dreg:$0x4] =	wrdreg $0xC0  }
0xab: {  	_ =	task [dreg:s7], $0x5FFFF  }
0xac: {  	[dreg:$0x1] =	wrdreg $0xFFFFFFFF  }
0xad: {  	[dreg:$0x0] =	wrdreg $0x60  }
0xae: {  	[dreg:$0x2] =	wrdreg s24  }
0xaf: {  	[dreg:$0x3] =	wrdreg s2  }
0xb0: {  	[dreg:$0x4] =	wrdreg $0xA  }
0xb1: {  	_ =	task.clear_ibuf [dreg:s7], $0x5FFFF;
	_ =	strace $0x90000046  }
0xb2: {  	s29 =	simm.s32 $0xA;
	_ =	strace $0x80000048  }
0xb3: {  	_ =	swait.ge [sflag:s29], $0x1  }
0xb4: {  	[sflag:s29] =	ssyncadd.s32 $0xFFFFFFFF  }
0xb5: {  	_ =	strace $0x90000048  }
0xb6: {  	_ =	sfence  }
0xb7: {  	s30 =	sld [smem:$0x0];
	_ =	sdelay $0x2  }
0xb8: {  	s31 =	sshll.u32 s1, $0xD;
	s1 =	sshrl.u32 s1, $0x2  }
0xb9: {  	s3 =	sand.u32 $0x4000, s31;
	s1 =	sadd.s32 s1, s30  }
0xba: {  	s0 =	sor.u32 s3, s0;
	s1 =	sshll.u32 s1, $0x11  }
0xbb: {  	s0 =	sor.u32 s1, s0  }
0xbc: {  	s0 =	sadd.s32 $0x8F2B, s0  }
0xbd: {  	[sflag:s0] =	ssyncadd.remote.s32 $0x1  }
0xbe: {  	_ =	sfence.sel $0xFFFF  }
0xbf: {  	[dreg:$0x0] =	wrdreg $0xFFFFFFFF;
	(pc) =	sbr.abs _section_cstart, $3  }
0xc0: {  	[dreg:$0x1] =	wrdreg $0xFFFFFFFF  }
0xc1: {  	_ =	task.clear_ibuf [dreg:s7], $0x2FFFF;
	_ =	strace $0x9FFFFFFF  }
0xc2: {  	(tm) =	ssettm $0x7FFFFFFF  }
0xc3: {  	_ =	shalt  }
tec
execute0_lowered:
.L_overlay_start_1:
0x0: {  	(tag) =	ssettag $0x1  }
0x1: {  	s1 =	srdreg.scid;
	s5 =	rddreg [dreg:$0x0]  }
0x2: {  	s0 =	stileid.u32;
	s2 =	rddreg [dreg:$0x1];
	s6 =	simm.s32 $0x1  }
0x3: {  	s9 =	simm.s32 $0x1;
	s10 =	simm.s32 $0x3;
	s1 =	sshll.u32 s1, $0x8  }
0x4: {  	s13 =	simm.s32 $0x0;
	s3 =	sshll.u32 s0, $0x9;
	s4 =	sand.u32 $0x100, s1  }
0x5: {  	s12 =	simm.s32 $0x0;
	s1 =	rddreg [dreg:$0x2];
	s3 =	sor.u32 s3, s4  }
0x6: {  	_ =	strace $0x80000047;
	s4 =	sadd.s32 $0x44C00, s5;
	s8 =	ssub.s32 $0x4000, s3  }
.Ltmp0:
0x7: {  	s5 =	sadd.s32 $0x45E00, s5;
	s7 =	sand.u32 $0x1F00, s8;
	(pc) =	sbr.rel .LBB2_1-.Ltmp0, $4  }
0x8: {  	[sflag:s6] =	ssyncpa.u1 $0x0;
	s11 =	smov.u32 s3;
	p0 =	sne.s32 s7, $0x0  }
0x9: {  	s8 =	sshrl.u32 s8, $0xD;
	s7 =	simm.s32 $0x2;
	s9 =	simm.s32 @!p0 $0x0  }
0xa: {  	[sflag:s7] =	ssyncpa.u1 $0x0;
	p0 =	por $0x0, $0x0;
	s8 =	sadd.s32 s9, s8  }
0xb: {  	vm0 =	vmmov $0xffff;
	[sflag:s10] =	ssyncpa.u1 $0x0;
	s10 =	simm.s32 $0x0;
	s9 =	sadd.s32 $0x1, s8  }
.LBB2_4:
0xc: {  	v2 =	vnsel vm1, $0x0, v2  }
0xd: {  	vm1 =	vgt.s32 v0, $0x0;
	v2 =	vmin.u32 v2, $0x87FF  }
0xe: {  	v0 =	vnsel vm1, $0x0, v0  }
0xf: {  	v0 =	vmin.u32 v0, $0x87FF  }
0x10: {  	[tilespmem:s15], [sflag:$0x1] =	stream.indirect_vreg.gather [hbm4b:s4+s10], $0x1, v1, vm0, $0x4038;
	[tilespmem:$0x400] =	vst v63  }
0x11: {  	(ifvalue) =	ssetifvalue $0x7FFFFFFF  }
0x12: {  	[tilespmem:s16], [sflag:$0x1] =	stream.indirect_vreg.gather [hbm4b:s4+s10], $0x1, v2, vm0, $0x4038;
	[tilespmem:$0x400] =	vst v63  }
0x13: {  	s29 =	sadd.s32 $0x10, s16;
	(ifvalue) =	ssetifvalue $0x7FFFFFFF  }
0x14: {  	[tilespmem:s29], [sflag:$0x1] =	stream.indirect_vreg.gather [hbm4b:s4+s10], $0x1, v0, vm0, $0x4038;
	[tilespmem:$0x400] =	vst v63  }
0x15: {  	_ =	swait.ge [sflag:s6], $0x100  }
0x16: {  	s30 =	sshrl.u32 s13, $0x3;
	[sflag:s6] =	ssyncset.done $0x0  }
0x17: {  	s31 =	sand.u32 $0x7, s13;
	s15 =	sadd.s32 s5, s30;
	[sflag:s6] =	ssyncadd.s32 $0xFFFFFF00  }
0x18: {  	[hbm4b:s15+s31] =	stream.linear.scatter [tilespmem:s14], [sflag:$0x3], $0x100, $0x38;
	[tilespmem:$0x400] =	vst v63  }
.LBB2_5:
0x19: {  	s15 =	sadd.s32 $0x2000, s11  }
0x1a: {  	p2 =	sgt.s32 s15, $0x3FFF  }
0x1b: {  	s15 =	smov.u32 @p2 s3;
	p2 =	sne.s32 s12, s9  }
.Ltmp1:
0x1c: {  	p1 =	slt.u32 s12, $0x2;
	(pc) =	sbr.rel @!p2 .LBB2_6-.Ltmp1, $4  }
0x1d: {  	s14 =	simm.s32 @!p1 $0x3  }
0x1e: {  	s16 =	sadd.s32 $0x1, s12;
	_ =	swait.ge @!p1 [sflag:s14], $0x100  }
0x1f: {  	s13 =	smov.u32 s11;
	p0 =	por !p0, !p0;
	[sflag:s14] =	ssyncset.done @!p1 $0x0  }
0x20: {  	s12 =	smov.u32 s16;
	s11 =	smov.u32 s15;
	[sflag:s14] =	ssyncadd.s32 @!p1 $0xFFFFFF00  }
.LBB2_1:
0x21: {  	p1 =	sge.u32 s12, s8  }
0x22: {  	s14 =	sxor.u32 @!p1 $0xFFFFFFFF, s12  }
0x23: {  	s31 =	sadd.s32 $0xFFFFFFFF, s12;
	s15 =	sshrl.u32 @!p1 s11, $0x3;
	s14 =	sshll.u32 @!p1 s14, $0x8  }
0x24: {  	s16 =	sand.u32 @!p1 $0x7, s11;
	s15 =	sadd.s32 @!p1 s2, s15;
	s14 =	sand.u32 @!p1 $0x100, s14  }
0x25: {  	[tilespmem:s14], [sflag:$0x2] =	stream.linear.gather @!p1 [hbm4b:s15+s16], $0x100, $0x38;
	[tilespmem:$0x400] =	vst v63  }
0x26: {  	p1 =	sge.u32 s31, s8  }
.Ltmp2:
0x27: {  	_ = 	snop;
	(pc) =	sbr.rel @p1 .LBB2_5-.Ltmp2, $1  }
0x28: {  	_ =	sdelay $0x3  }
0x29: {  	s14 =	simm.s32 $0x1  }
0x2a: {  	_ =	swait.ge [sflag:s7], $0x100;
	s14 =	simm.s32 @!p0 $0x0  }
0x2b: {  	[sflag:s7] =	ssyncset.done $0x0;
	s14 =	sshll.u32 s14, $0x8  }
0x2c: {  	[sflag:s7] =	ssyncadd.s32 $0xFFFFFF00;
	(ifvalue) =	ssetifvalue $0x7FFFFFFF;
	v0 =	vld.msk [tilespmem:s14+$0x0 ss:$0x1], $0xffff;
	_ =	sdelay $0x4  }
0x2d: {  	s15 =	sadd.s32 $0x10, s14;
	vm1 =	vgt.s32 v0, $0x0  }
0x2e: {  	v2 =	vld.msk [tilespmem:s15+$0x0 ss:$0x1], $0xffff;
	v1 =	vnsel vm1, $0x0, v0  }
0x2f: {  	v1 =	vmin.u32 v1, $0x87FF;
	_ =	sdelay $0x1  }
0x30: {  	s16 =	sshll.u32 s12, $0x8;
	s18 =	simm.s32 $0x20  }
0x31: {  	s16 =	sand.u32 $0x100, s16;
	s17 =	sadd.s32 $0x10, s15;
	s15 =	sor.u32 $0x200, s14  }
0x32: {  	s14 =	sor.u32 $0x200, s16;
	s16 =	sadd.s32 $0x10, s15;
	v0 =	vld.msk [tilespmem:s17+$0x0 ss:$0x1], $0xffff;
	vm1 =	vgt.s32 v2, $0x0;
	(ifvalue) =	ssetifvalue $0x7FFFFFFF  }
.LBB2_3:
0x33: {  	[tilespmem:s15], [sflag:$0x1] =	stream.indirect_vreg.gather [hbm4b:s4+s10], $0x1, v1, vm0, $0x4038;
	[tilespmem:$0x400] =	vst v63  }
0x34: {  	s18 =	sadd.s32 $0x10, s18  }
0x35: {  	v2 =	vnsel vm1, $0x0, v2;
	p1 =	slt.u32 s18, $0xF0  }
.Ltmp3:
0x36: {  	s15 =	smov.u32 s16;
	v1 =	vmin.u32 v2, $0x87FF;
	(pc) =	sbr.rel @p1 .LBB2_3-.Ltmp3, $3  }
0x37: {  	_ =	sdelay $0x1  }
0x38: {  	s17 =	sadd.s32 $0x10, s17  }
0x39: {  	vm1 =	vgt.s32 v0, $0x0;
	s16 =	sadd.s32 $0x10, s16;
	v2 =	vmov v0;
	(ifvalue) =	ssetifvalue $0x7FFFFFFF;
	v0 =	vld.msk [tilespmem:s17+$0x0 ss:$0x1], $0xffff  }
.Ltmp4:
0x3a: {  	_ = 	snop;
	(pc) =	sbr.rel .LBB2_4-.Ltmp4, $1  }
0x3b: {  	_ =	sdelay $0x3  }
.LBB2_6:
0x3c: {  	_ =	sfence.sel $0x180000  }
0x3d: {  	s2 =	simm.s32 $0x2;
	[bflag:$0x0] =	sbarrier.arrive $0xFFFF  }
0x3e: {  	s30 =	simm.s32 $0x3;
	[sflag:s2] =	ssyncpa.u1 $0x1  }
0x3f: {  	s31 =	simm.s32 $0x1;
	[sflag:s30] =	ssyncpa.u1 $0x1  }
0x40: {  	[sflag:s31] =	ssyncpa.u1 $0x1  }
0x41: {  	p0 =	sne.s32 s0, $0x0;
	_ =	strace $0x90000047  }
0x42: {  	s0 =	sadd.s32 @!p0 $0x100000, s1;
	[bflag:$0x2] =	sbarrier.arrive $0xFFFF  }
0x43: {  	[sflag:s0] =	ssyncadd.tile.s32 @!p0 $0x1;
	_ =	shalt  }
.Lfunc_end2:
_tile_overlayer_lowered:
.L_overlay_start_2:
0x44: {  	(tag) =	ssettag $0x2  }
0x45: {  	s0 =	rddreg [dreg:$0x0];
	s2 =	stileid.u32  }
0x46: {  	s1 =	rddreg [dreg:$0x1];
	p0 =	sne.s32 s2, $0x0  }
0x47: {  	s3 =	rddreg [dreg:$0x2];
	[bflag:$0x3] =	sbarrier.arrive $0xFFFF;
	s2 =	simm.s32 @!p0 $0x1C01  }
0x48: {  	[timem:s3], [sflag:s2] =	dma.local @!p0 [hbm:s0], s1  }
0x49: {  	s0 =	simm.s32 @!p0 $0x1  }
0x4a: {  	_ =	swait.ge @!p0 [sflag:s0], s1  }
0x4b: {  	s1 =	ssub.s32 @!p0 $0x0, s1;
	[sflag:s0] =	ssyncset.done @!p0 $0x0  }
0x4c: {  	[sflag:s0] =	ssyncadd.s32 @!p0 s1  }
0x4d: {  	[bflag:$0x3] =	sbarrier.arrive $0xFFFF  }
0x4e: {  	_ =	shalt  }

// kernel: gather_offload_async_start
scs
__scs_entry_jumppad:
0x0: {  	(pc) =	sbr.rel $0x88, $3  }
0x1: {  	(tag) =	ssettag $0x0;
	lr =	simm.s32 $0x1  }
0x2: {  	[smem:$0x3F8C] =	sst lr;
	_ =	strace $0xD0000000  }
0x3: {  	_ = 	snop  }
0x4: {  	_ = 	snop  }
0x5: {  	_ = 	snop  }
0x6: {  	_ = 	snop  }
0x7: {  	_ = 	snop  }
__scs_overlays_trampoline_lowered:
0x8: {  	[smem:$0x3F9B] =	sst s0  }
0x9: {  	[smem:$0x3F9C] =	sst s1  }
0xa: {  	[smem:$0x3F9D] =	sst s2  }
0xb: {  	[smem:$0x3F9E] =	sst s3  }
0xc: {  	[smem:$0x3F9F] =	sst s4  }
0xd: {  	[smem:$0x3FA0] =	sst s5  }
0xe: {  	[smem:$0x3FA1] =	sst s6  }
0xf: {  	[smem:$0x3FA2] =	sst s7  }
0x10: {  	[smem:$0x3FA3] =	sst s8  }
0x11: {  	[smem:$0x3FA4] =	sst s9;
	s0 =	simm.s32 @!p0 $0x0  }
0x12: {  	s1 =	sld [smem:$0x3F8A];
	s0 =	simm.s32 @p0 $0x1  }
0x13: {  	[smem:$0x3FA5] =	sst s0;
	s0 =	simm.s32 @!p1 $0x0  }
0x14: {  	s2 =	sld [smem:$0x3F89];
	s0 =	simm.s32 @p1 $0x1  }
0x15: {  	[smem:$0x3FA6] =	sst s0;
	s0 =	simm.s32 @!p2 $0x0  }
0x16: {  	s3 =	sld [smem:$0x3FDB];
	s0 =	simm.s32 @p2 $0x1  }
0x17: {  	s4 =	simm.s32 $0x1BF5;
	[smem:$0x3FA8] =	sst s0  }
0x18: {  	s0 =	sld [smem:$0x3F8B];
	_ =	swait.ge [sflag:s4], $0x0  }
0x19: {  	s7 =	sld [smem:$0x3F8C]  }
0x1a: {  	s8 =	sadd.s32 $0xFFFFE003, lr  }
0x1b: {  	s9 =	sadd.s32 $0xFFFFFEF7, lr;
	s5 =	simm.s32 $0xFFFFFFFF;
	p2 =	slt.u32 s8, $0xFFFFF086  }
0x1c: {  	p1 =	slt.u32 s9, $0xF7A;
	s5 =	simm.s32 @!p2 $0x0  }
0x1d: {  	s5 =	simm.s32 @p1 $0x1;
	p0 =	seq.s32 s7, s2  }
0x1e: {  	s7 =	smul.u32 @!p0 $0xF7A, s2;
	p2 =	seq.s32 @!p0 s5, $0x0  }
0x1f: {  	s9 =	smul.u32 $0xF7A, s1;
	s8 =	simm.s32 @!p0 $0x1BF5;
	p2 =	por !p2, p0  }
0x20: {  	[sflag:s8] =	ssyncset.s32 @!p0 $0xFFFFF086;
	s6 =	sadd.s32 @!p0 s3, s7;
	s7 =	simm.s32 @!p0 $0x108  }
0x21: {  	s3 =	sadd.s32 s3, s9;
	s6 =	sadd.s32 @!p0 $0x88, s6;
	s7 =	simm.s32 @p2 $0x1082  }
0x22: {  	[simem:s7], [sflag:s8] =	dma.local @!p0 [hbm:s6], $0xF7A  }
0x23: {  	s9 =	sor.u32 $0xD0000000, s2;
	s6 =	simm.s32 $0x108;
	_ =	swait.ge @!p0 [sflag:s8], $0x0  }
0x24: {  	s3 =	sadd.s32 $0x88, s3;
	s6 =	simm.s32 @!p1 $0x1082;
	[sflag:s4] =	ssyncset.s32 $0xFFFFF086  }
0x25: {  	[simem:s6], [sflag:s4] =	dma.local [hbm:s3], $0xF7A  }
0x26: {  	[smem:$0x3F8C] =	sst s1;
	(tag) =	ssettag s2;
	_ =	strace s9  }
0x27: {  	s1 =	sld [smem:$0x3F9C]  }
0x28: {  	s2 =	sld [smem:$0x3F9D]  }
0x29: {  	s4 =	sld [smem:$0x3F9F]  }
0x2a: {  	p0 =	seq.s32 s5, $0x0;
	s5 =	sld [smem:$0x3FA0]  }
0x2b: {  	s6 =	sld [smem:$0x3FA1]  }
0x2c: {  	s7 =	sld [smem:$0x3FA2]  }
0x2d: {  	s3 =	simm.s32 $0x108;
	s8 =	sld [smem:$0x3FA3]  }
0x2e: {  	s3 =	simm.s32 @!p0 $0x1082;
	s9 =	sld [smem:$0x3FA4]  }
0x2f: {  	lr =	sadd.s32 s0, s3;
	s0 =	sld [smem:$0x3F9B]  }
0x30: {  	s3 =	sld [smem:$0x3F9E]  }
0x31: {  	[smem:$0x3FA7] =	sst s10  }
0x32: {  	s10 =	sld [smem:$0x3FA5];
	_ =	sdelay $0x3  }
0x33: {  	p0 =	seq.s32 s10, $0x1;
	s10 =	sld [smem:$0x3FA7];
	_ =	sdelay $0x3  }
0x34: {  	[smem:$0x3FA7] =	sst s10  }
0x35: {  	s10 =	sld [smem:$0x3FA6];
	_ =	sdelay $0x3  }
0x36: {  	p1 =	seq.s32 s10, $0x1;
	s10 =	sld [smem:$0x3FA7];
	_ =	sdelay $0x3  }
0x37: {  	[smem:$0x3FA7] =	sst s10  }
0x38: {  	s10 =	sld [smem:$0x3FA8]  }
0x39: {  	_ = 	snop;
	(pc) =	sbr.ind lr, $3  }
0x3a: {  	_ = 	snop  }
0x3b: {  	_ = 	snop  }
0x3c: {  	p2 =	seq.s32 s10, $0x1;
	s10 =	sld [smem:$0x3FA7]  }
0x3d: {  	_ =	shalt  }
0x3e: {  	_ =	shalt  }
0x3f: {  	_ =	shalt  }
0x40: {  	_ =	shalt  }
0x41: {  	_ =	shalt  }
0x42: {  	_ =	shalt  }
0x43: {  	_ =	shalt  }
0x44: {  	_ =	shalt  }
0x45: {  	_ =	shalt  }
0x46: {  	_ =	shalt  }
0x47: {  	_ =	shalt  }
0x48: {  	_ =	shalt  }
0x49: {  	_ =	shalt  }
0x4a: {  	_ =	shalt  }
0x4b: {  	_ =	shalt  }
0x4c: {  	_ =	shalt  }
0x4d: {  	_ =	shalt  }
0x4e: {  	_ =	shalt  }
0x4f: {  	_ =	shalt  }
0x50: {  	_ =	shalt  }
0x51: {  	_ =	shalt  }
0x52: {  	_ =	shalt  }
0x53: {  	_ =	shalt  }
0x54: {  	_ =	shalt  }
0x55: {  	_ =	shalt  }
0x56: {  	_ =	shalt  }
0x57: {  	_ =	shalt  }
0x58: {  	_ =	shalt  }
0x59: {  	_ =	shalt  }
0x5a: {  	_ =	shalt  }
0x5b: {  	_ =	shalt  }
0x5c: {  	_ =	shalt  }
0x5d: {  	_ =	shalt  }
0x5e: {  	_ =	shalt  }
0x5f: {  	_ =	shalt  }
0x60: {  	_ =	shalt  }
0x61: {  	_ =	shalt  }
0x62: {  	_ =	shalt  }
0x63: {  	_ =	shalt  }
0x64: {  	_ =	shalt  }
0x65: {  	_ =	shalt  }
0x66: {  	_ =	shalt  }
0x67: {  	_ =	shalt  }
0x68: {  	_ =	shalt  }
0x69: {  	_ =	shalt  }
0x6a: {  	_ =	shalt  }
0x6b: {  	_ =	shalt  }
0x6c: {  	_ =	shalt  }
0x6d: {  	_ =	shalt  }
0x6e: {  	_ =	shalt  }
0x6f: {  	_ =	shalt  }
0x70: {  	_ =	shalt  }
0x71: {  	_ =	shalt  }
0x72: {  	_ =	shalt  }
0x73: {  	_ =	shalt  }
0x74: {  	_ =	shalt  }
0x75: {  	_ =	shalt  }
0x76: {  	_ =	shalt  }
0x77: {  	_ =	shalt  }
0x78: {  	_ =	shalt  }
0x79: {  	_ =	shalt  }
0x7a: {  	_ =	shalt  }
0x7b: {  	_ =	shalt  }
0x7c: {  	_ =	shalt  }
0x7d: {  	_ =	shalt  }
0x7e: {  	_ =	shalt  }
0x7f: {  	_ =	shalt  }
0x80: {  	_ =	shalt  }
0x81: {  	_ =	shalt  }
0x82: {  	_ =	shalt  }
0x83: {  	_ =	shalt  }
0x84: {  	_ =	shalt  }
0x85: {  	_ =	shalt  }
0x86: {  	_ =	shalt  }
0x87: {  	_ =	shalt  }
.Lfunc_end0:
.L_simem_size_0:
called_computation_lowered:
.L_overlay_start_0:
0x88: {  	s2 =	sld [smem:$0x3FD9]  }
0x89: {  	s3 =	sld [smem:$0x3FFE];
	_ =	sdelay $0x1  }
0x8a: {  	s1 =	srdreg.scid  }
0x8b: {  	s0 =	sand.u32 $0x1, s1  }
0x8c: {  	s17 =	sshll.u32 s0, $0xA;
	s2 =	sadd.s32 s3, s2  }
0x8d: {  	s2 =	sadd.s32 s2, s17  }
0x8e: {  	[smem:$0x3FB3] =	sst s2  }
0x8f: {  	_ = 	snop  }
0x90: {  	(tm) =	ssettm $0x1  }
0x91: {  	s18 =	sld [smem:$0x3FFB];
	_ =	sdelay $0x3  }
0x92: {  	_ =	strace s18  }
0x93: {  	s2 =	sld [smem:$0x3FFC];
	_ =	sdelay $0x3  }
0x94: {  	_ =	strace s2  }
0x95: {  	s2 =	sld [smem:$0x3FFD];
	_ =	sdelay $0x3  }
0x96: {  	_ =	strace s2  }
0x97: {  	_ =	strace $0x8FFFFFFF  }
0x98: {  	s19 =	sld [smem:$0x3FDB];
	_ =	sdelay $0x1  }
0x99: {  	s20 =	simm.s32 $_scs_section_size  }
0x9a: {  	s4 =	simm.s32 $_size__tile_overlayer_lowered;
	s5 =	simm.s32 $_tile_overlayer_lowered  }
0x9b: {  	s6 =	simm.s32 $0x1BFF;
	s21 =	sshll.u32 s5, $0x1;
	s3 =	sadd.s32 s20, s19  }
0x9c: {  	s22 =	simm.s32 $0x0;
	s4 =	sshll.u32 s4, $0x1;
	s5 =	sadd.s32 s21, s3  }
0x9d: {  	[timem:s22], [sflag:s6] =	dma.local [hbm:s5], s4  }
0x9e: {  	_ =	swait.ge [sflag:s6], s4  }
0x9f: {  	s4 =	ssub.s32 $0x0, s4;
	[sflag:s6] =	ssyncset.done $0x0  }
0xa0: {  	[sflag:s6] =	ssyncadd.s32 s4;
	_ =	sdelay $0x1  }
0xa1: {  	s23 =	simm.s32 $0x1B8B  }
0xa2: {  	_ =	swait.ge [sflag:s23], $0x1  }
0xa3: {  	[sflag:s23] =	ssyncset.done $0x0  }
0xa4: {  	[sflag:s23] =	ssyncadd.s32 $0xFFFFFFFF  }
0xa5: {  	s4 =	sld [smem:$0x0]  }
0xa6: {  	s5 =	sand.u32 $0xFFFFFFFE, s1  }
0xa7: {  	p0 =	sne.s32 s1, s5  }
0xa8: {  	s5 =	sshll.u32 @p0 s5, $0xE  }
0xa9: {  	s5 =	sadd.s32 @p0 $0x11B8D, s5;
	s6 =	sshll.u32 @p0 s4, $0x11  }
0xaa: {  	s5 =	sor.u32 @p0 s6, s5  }
0xab: {  	[sflag:s5] =	ssyncadd.remote.s32 @p0 $0x1;
	_ =	sdelay $0x1  }
0xac: {  	s5 =	simm.s32 @p0 $0x1B8D  }
0xad: {  	_ =	swait.eq @p0 [sflag:s5], $0x1  }
0xae: {  	[sflag:s5] =	ssyncadd.s32 @p0 $0xFFFFFFFF  }
0xaf: {  	s6 =	sshll.u32 @!p0 s1, $0xE  }
0xb0: {  	s6 =	sor.u32 @!p0 $0x4000, s6;
	s5 =	simm.s32 @!p0 $0x1B8D  }
0xb1: {  	s4 =	sshll.u32 @!p0 s4, $0x11;
	s6 =	sadd.s32 @!p0 $0x11B8D, s6;
	_ =	swait.eq @!p0 [sflag:s5], $0x1  }
0xb2: {  	s4 =	sor.u32 @!p0 s4, s6;
	[sflag:s5] =	ssyncadd.s32 @!p0 $0xFFFFFFFF  }
0xb3: {  	s25 =	simm.s32 $0x1B8E;
	s24 =	sld [smem:$0x3FFE];
	[sflag:s4] =	ssyncadd.remote.s32 @!p0 $0x1  }
0xb4: {  	s26 =	simm.s32 $execute0_lowered;
	[smem:$0x3FD2] =	sst s25  }
0xb5: {  	s5 =	sshll.u32 s26, $0x1;
	_ =	strace $0x80000049;
	[dreg:$0x1] =	wrdreg $0xFFFFFFFF  }
0xb6: {  	s28 =	simm.s32 $_size_execute0_lowered;
	s3 =	sadd.s32 s3, s5;
	[dreg:$0x0] =	wrdreg $0x0  }
0xb7: {  	s5 =	sshll.u32 s28, $0x1;
	[dreg:$0x2] =	wrdreg s3  }
0xb8: {  	[dreg:$0x3] =	wrdreg s5  }
0xb9: {  	[dreg:$0x4] =	wrdreg $0xC0  }
0xba: {  	_ =	task [dreg:s22], $0x5FFFF  }
0xbb: {  	[dreg:$0x1] =	wrdreg $0xFFFFFFFF  }
0xbc: {  	[dreg:$0x0] =	wrdreg $0x60  }
0xbd: {  	[dreg:$0x2] =	wrdreg s24  }
0xbe: {  	[dreg:$0x3] =	wrdreg $0x9  }
0xbf: {  	_ =	task.clear_ibuf [dreg:s22], $0x4FFFF;
	_ =	strace $0x90000049  }
0xc0: {  	s29 =	simm.s32 $0x9;
	_ =	strace $0x8000004B  }
0xc1: {  	_ =	swait.ge [sflag:s29], $0x1  }
0xc2: {  	[sflag:s29] =	ssyncadd.s32 $0xFFFFFFFF  }
0xc3: {  	_ =	strace $0x9000004B  }
0xc4: {  	_ =	sfence  }
0xc5: {  	s30 =	sld [smem:$0x0];
	_ =	sdelay $0x2  }
0xc6: {  	s31 =	sshll.u32 s1, $0xD;
	s1 =	sshrl.u32 s1, $0x2  }
0xc7: {  	s4 =	sand.u32 $0x4000, s31;
	s1 =	sadd.s32 s1, s30  }
0xc8: {  	s0 =	sor.u32 s4, s0;
	s1 =	sshll.u32 s1, $0x11  }
0xc9: {  	s0 =	sor.u32 s1, s0  }
0xca: {  	s0 =	sadd.s32 $0x8F2B, s0  }
0xcb: {  	[sflag:s0] =	ssyncadd.remote.s32 $0x1  }
0xcc: {  	_ =	sfence.sel $0xFFFF  }
0xcd: {  	[dreg:$0x0] =	wrdreg $0xFFFFFFFF;
	(pc) =	sbr.abs _section_cstart, $3  }
0xce: {  	[dreg:$0x1] =	wrdreg $0xFFFFFFFF  }
0xcf: {  	_ =	task.clear_ibuf [dreg:s22], $0x2FFFF;
	_ =	strace $0x9FFFFFFF  }
0xd0: {  	(tm) =	ssettm $0x7FFFFFFF  }
0xd1: {  	_ =	shalt  }
tec
execute0_lowered:
.L_overlay_start_1:
0x0: {  	(tag) =	ssettag $0x1  }
0x1: {  	s0 =	srdreg.scid;
	s5 =	rddreg [dreg:$0x0]  }
0x2: {  	s1 =	stileid.u32;
	s6 =	simm.s32 $0x1;
	s9 =	simm.s32 $0x1  }
0x3: {  	s10 =	simm.s32 $0x3;
	s13 =	simm.s32 $0x0;
	s2 =	sshll.u32 s0, $0x8  }
0x4: {  	s12 =	simm.s32 $0x0;
	s3 =	sshll.u32 s1, $0x9;
	s2 =	sand.u32 $0x100, s2  }
0x5: {  	s0 =	rddreg [dreg:$0x1];
	_ =	strace $0x8000004A;
	s2 =	sor.u32 s3, s2  }
0x6: {  	s4 =	sadd.s32 $0x44400, s5;
	[sflag:s6] =	ssyncpa.u1 $0x0;
	s8 =	ssub.s32 $0x4000, s2  }
.Ltmp0:
0x7: {  	s3 =	sadd.s32 $0x44C00, s5;
	s7 =	sand.u32 $0x1F00, s8;
	(pc) =	sbr.rel .LBB2_1-.Ltmp0, $4  }
0x8: {  	s5 =	sadd.s32 $0x46600, s5;
	s11 =	smov.u32 s2;
	p0 =	sne.s32 s7, $0x0  }
0x9: {  	s8 =	sshrl.u32 s8, $0xD;
	s7 =	simm.s32 $0x2;
	s9 =	simm.s32 @!p0 $0x0  }
0xa: {  	[sflag:s7] =	ssyncpa.u1 $0x0;
	p0 =	por $0x0, $0x0;
	s8 =	sadd.s32 s9, s8  }
0xb: {  	vm0 =	vmmov $0xffff;
	[sflag:s10] =	ssyncpa.u1 $0x0;
	s10 =	simm.s32 $0x0;
	s9 =	sadd.s32 $0x1, s8  }
.LBB2_4:
0xc: {  	v2 =	vnsel vm1, $0x0, v2  }
0xd: {  	vm1 =	vgt.s32 v0, $0x0;
	v2 =	vmin.u32 v2, $0x87FF  }
0xe: {  	v0 =	vnsel vm1, $0x0, v0  }
0xf: {  	v0 =	vmin.u32 v0, $0x87FF  }
0x10: {  	[tilespmem:s15], [sflag:$0x1] =	stream.indirect_vreg.gather [hbm4b:s3+s10], $0x1, v1, vm0, $0x4038;
	[tilespmem:$0x400] =	vst v63  }
0x11: {  	(ifvalue) =	ssetifvalue $0x7FFFFFFF  }
0x12: {  	[tilespmem:s16], [sflag:$0x1] =	stream.indirect_vreg.gather [hbm4b:s3+s10], $0x1, v2, vm0, $0x4038;
	[tilespmem:$0x400] =	vst v63  }
0x13: {  	s29 =	sadd.s32 $0x10, s16;
	(ifvalue) =	ssetifvalue $0x7FFFFFFF  }
0x14: {  	[tilespmem:s29], [sflag:$0x1] =	stream.indirect_vreg.gather [hbm4b:s3+s10], $0x1, v0, vm0, $0x4038;
	[tilespmem:$0x400] =	vst v63  }
0x15: {  	_ =	swait.ge [sflag:s6], $0x100  }
0x16: {  	s30 =	sshrl.u32 s13, $0x3;
	[sflag:s6] =	ssyncset.done $0x0  }
0x17: {  	s31 =	sand.u32 $0x7, s13;
	s15 =	sadd.s32 s5, s30;
	[sflag:s6] =	ssyncadd.s32 $0xFFFFFF00  }
0x18: {  	[hbm4b:s15+s31] =	stream.linear.scatter [tilespmem:s14], [sflag:$0x3], $0x100, $0x38;
	[tilespmem:$0x400] =	vst v63  }
.LBB2_5:
0x19: {  	s15 =	sadd.s32 $0x2000, s11  }
0x1a: {  	p2 =	sgt.s32 s15, $0x3FFF  }
0x1b: {  	s15 =	smov.u32 @p2 s2;
	p2 =	sne.s32 s12, s9  }
.Ltmp1:
0x1c: {  	p1 =	slt.u32 s12, $0x2;
	(pc) =	sbr.rel @!p2 .LBB2_6-.Ltmp1, $4  }
0x1d: {  	s14 =	simm.s32 @!p1 $0x3  }
0x1e: {  	s16 =	sadd.s32 $0x1, s12;
	_ =	swait.ge @!p1 [sflag:s14], $0x100  }
0x1f: {  	s13 =	smov.u32 s11;
	p0 =	por !p0, !p0;
	[sflag:s14] =	ssyncset.done @!p1 $0x0  }
0x20: {  	s12 =	smov.u32 s16;
	s11 =	smov.u32 s15;
	[sflag:s14] =	ssyncadd.s32 @!p1 $0xFFFFFF00  }
.LBB2_1:
0x21: {  	p1 =	sge.u32 s12, s8  }
0x22: {  	s14 =	sxor.u32 @!p1 $0xFFFFFFFF, s12  }
0x23: {  	s31 =	sadd.s32 $0xFFFFFFFF, s12;
	s15 =	sshrl.u32 @!p1 s11, $0x3;
	s14 =	sshll.u32 @!p1 s14, $0x8  }
0x24: {  	s16 =	sand.u32 @!p1 $0x7, s11;
	s15 =	sadd.s32 @!p1 s4, s15;
	s14 =	sand.u32 @!p1 $0x100, s14  }
0x25: {  	[tilespmem:s14], [sflag:$0x2] =	stream.linear.gather @!p1 [hbm4b:s15+s16], $0x100, $0x38;
	[tilespmem:$0x400] =	vst v63  }
0x26: {  	p1 =	sge.u32 s31, s8  }
.Ltmp2:
0x27: {  	_ = 	snop;
	(pc) =	sbr.rel @p1 .LBB2_5-.Ltmp2, $1  }
0x28: {  	_ =	sdelay $0x3  }
0x29: {  	s14 =	simm.s32 $0x1  }
0x2a: {  	_ =	swait.ge [sflag:s7], $0x100;
	s14 =	simm.s32 @!p0 $0x0  }
0x2b: {  	[sflag:s7] =	ssyncset.done $0x0;
	s14 =	sshll.u32 s14, $0x8  }
0x2c: {  	[sflag:s7] =	ssyncadd.s32 $0xFFFFFF00;
	(ifvalue) =	ssetifvalue $0x7FFFFFFF;
	v0 =	vld.msk [tilespmem:s14+$0x0 ss:$0x1], $0xffff;
	_ =	sdelay $0x4  }
0x2d: {  	s15 =	sadd.s32 $0x10, s14;
	vm1 =	vgt.s32 v0, $0x0  }
0x2e: {  	v2 =	vld.msk [tilespmem:s15+$0x0 ss:$0x1], $0xffff;
	v1 =	vnsel vm1, $0x0, v0  }
0x2f: {  	v1 =	vmin.u32 v1, $0x87FF;
	_ =	sdelay $0x1  }
0x30: {  	s16 =	sshll.u32 s12, $0x8;
	s18 =	simm.s32 $0x20  }
0x31: {  	s16 =	sand.u32 $0x100, s16;
	s17 =	sadd.s32 $0x10, s15;
	s15 =	sor.u32 $0x200, s14  }
0x32: {  	s14 =	sor.u32 $0x200, s16;
	s16 =	sadd.s32 $0x10, s15;
	v0 =	vld.msk [tilespmem:s17+$0x0 ss:$0x1], $0xffff;
	vm1 =	vgt.s32 v2, $0x0;
	(ifvalue) =	ssetifvalue $0x7FFFFFFF  }
.LBB2_3:
0x33: {  	[tilespmem:s15], [sflag:$0x1] =	stream.indirect_vreg.gather [hbm4b:s3+s10], $0x1, v1, vm0, $0x4038;
	[tilespmem:$0x400] =	vst v63  }
0x34: {  	s18 =	sadd.s32 $0x10, s18  }
0x35: {  	v2 =	vnsel vm1, $0x0, v2;
	p1 =	slt.u32 s18, $0xF0  }
.Ltmp3:
0x36: {  	s15 =	smov.u32 s16;
	v1 =	vmin.u32 v2, $0x87FF;
	(pc) =	sbr.rel @p1 .LBB2_3-.Ltmp3, $3  }
0x37: {  	_ =	sdelay $0x1  }
0x38: {  	s17 =	sadd.s32 $0x10, s17  }
0x39: {  	vm1 =	vgt.s32 v0, $0x0;
	s16 =	sadd.s32 $0x10, s16;
	v2 =	vmov v0;
	(ifvalue) =	ssetifvalue $0x7FFFFFFF;
	v0 =	vld.msk [tilespmem:s17+$0x0 ss:$0x1], $0xffff  }
.Ltmp4:
0x3a: {  	_ = 	snop;
	(pc) =	sbr.rel .LBB2_4-.Ltmp4, $1  }
0x3b: {  	_ =	sdelay $0x3  }
.LBB2_6:
0x3c: {  	_ =	sfence.sel $0x180000  }
0x3d: {  	s2 =	simm.s32 $0x2;
	[bflag:$0x0] =	sbarrier.arrive $0xFFFF  }
0x3e: {  	s30 =	simm.s32 $0x3;
	[sflag:s2] =	ssyncpa.u1 $0x1  }
0x3f: {  	s31 =	simm.s32 $0x1;
	[sflag:s30] =	ssyncpa.u1 $0x1  }
0x40: {  	[sflag:s31] =	ssyncpa.u1 $0x1  }
0x41: {  	p0 =	sne.s32 s1, $0x0;
	_ =	strace $0x9000004A  }
0x42: {  	s0 =	sadd.s32 @!p0 $0x100000, s0;
	[bflag:$0x2] =	sbarrier.arrive $0xFFFF  }
0x43: {  	[sflag:s0] =	ssyncadd.tile.s32 @!p0 $0x1;
	_ =	shalt  }
.Lfunc_end2:
_tile_overlayer_lowered:
.L_overlay_start_2:
0x44: {  	(tag) =	ssettag $0x2  }
0x45: {  	s0 =	rddreg [dreg:$0x0];
	s2 =	stileid.u32  }
0x46: {  	s1 =	rddreg [dreg:$0x1];
	p0 =	sne.s32 s2, $0x0  }
0x47: {  	s3 =	rddreg [dreg:$0x2];
	[bflag:$0x3] =	sbarrier.arrive $0xFFFF;
	s2 =	simm.s32 @!p0 $0x1C01  }
0x48: {  	[timem:s3], [sflag:s2] =	dma.local @!p0 [hbm:s0], s1  }
0x49: {  	s0 =	simm.s32 @!p0 $0x1  }
0x4a: {  	_ =	swait.ge @!p0 [sflag:s0], s1  }
0x4b: {  	s1 =	ssub.s32 @!p0 $0x0, s1;
	[sflag:s0] =	ssyncset.done @!p0 $0x0  }
0x4c: {  	[sflag:s0] =	ssyncadd.s32 @!p0 s1  }
0x4d: {  	[bflag:$0x3] =	sbarrier.arrive $0xFFFF  }
0x4e: {  	_ =	shalt  }

</sc_bundles>
